<compile_context>
chip_gen: v7x
topology: tpu7x:2x2x1
jax: 0.10.2.dev20260603
libtpu: 0.0.44.dev20260713+nightly
codegen_flags: <defaults>
</compile_context>

<pallas_src>
import functools

import jax
import jax.numpy as jnp
from jax import lax
from jax.experimental import pallas as pl
from jax.experimental.pallas import tpu as pltpu
from jax.experimental.pallas import tpu_sc as plsc

BVS = 1000000
BD = 64
MOD = BVS - 1
ROW = 4096
NROWS = 4
B = NROWS * ROW
L = 16

_info = plsc.get_sparse_core_info()
NC = _info.num_cores
NS = _info.num_subcores
NW = NC * NS
BPW = B // NW
NV = BPW // L

_mesh = plsc.VectorSubcoreMesh(core_axis_name="c", subcore_axis_name="s")


@functools.partial(
    pl.kernel,
    mesh=_mesh,
    out_type=jax.ShapeDtypeStruct((B, BD), jnp.float32),
    scratch_types=[
        pltpu.VMEM((8 + BPW,), jnp.int32),
        pltpu.VMEM((BPW, BD), jnp.float32),
        pltpu.VMEM((L,), jnp.float32),
        pltpu.SemaphoreType.DMA,
    ],
)
def _bigram_gather(ids_hbm, emb_hbm, scale_hbm, out_hbm,
                   ids_v, rows_v, scale_v, sem):
    wid = lax.axis_index("s") * NC + lax.axis_index("c")
    base = wid * BPW

    pltpu.sync_copy(scale_hbm, scale_v)
    pltpu.sync_copy(ids_hbm.at[pl.ds(base, BPW)], ids_v.at[pl.ds(8, BPW)])

    @pl.when(wid != 0)
    def _():
        pltpu.sync_copy(ids_hbm.at[pl.ds(base - 8, 8)], ids_v.at[pl.ds(0, 8)])

    iota = lax.iota(jnp.int32, L)

    def _gather16(i, carry):
        cur = ids_v[pl.ds(8 + i * L, L)]
        prev = ids_v[pl.ds(7 + i * L, L)]
        h = lax.rem(lax.bitwise_xor(cur * 36313, prev * 27191), MOD)
        gpos = base + i * L + iota
        o = jnp.where((gpos & (ROW - 1)) == 0, MOD, h)
        rbase = i * L
        for j in range(L):
            pltpu.async_copy(emb_hbm.at[o[j]], rows_v.at[rbase + j], sem)
        return carry

    lax.fori_loop(0, NV, _gather16, 0)

    pltpu.make_async_copy(out_hbm.at[pl.ds(base, BPW)], rows_v, sem).wait()

    scale_vec = scale_v[...]

    def _scale_rows(r, carry):
        for c in range(BD // L):
            rows_v[r, pl.ds(c * L, L)] = rows_v[r, pl.ds(c * L, L)] * scale_vec
        return carry

    lax.fori_loop(0, BPW, _scale_rows, 0)

    pltpu.sync_copy(rows_v, out_hbm.at[pl.ds(base, BPW)])


def kernel(ids, emb, scale):
    ids_flat = ids.reshape(-1)
    scale16 = jnp.broadcast_to(scale.astype(jnp.float32).reshape(()), (L,))
    out = _bigram_gather(ids_flat, emb, scale16)
    return out.reshape(ids.shape + (BD,))

# --- scband reference (transcript-rebuilt; emitter-appended) ---
"""Pipeline reference for scband-bigram-hash-40424232189953 (READ-ONLY COPY).

The authoritative reference and input builder live on the scoring server;
editing this copy changes nothing except your own understanding.
"""

import jax, jax.numpy as jnp
import numpy as np

BVS = 1000000
BD = 64


def setup_inputs(seed: int = 0) -> dict:
    key = jax.random.key(seed)
    k1, k2 = jax.random.split(key, 2)
    ids = jax.random.randint(k1, (4, 4096), 0, 50257, dtype=jnp.int32)
    emb = jax.random.normal(k2, (BVS, BD), dtype=jnp.float32) * 0.02
    scale = jnp.array(0.05, dtype=jnp.float32)
    return {"ids": ids, "emb": emb, "scale": scale}


def reference(ids, emb, scale):
    # t = ids.to(int32); values < 50257 so 36313*t and 27191*t fit in int32 without overflow
    t = ids.astype(jnp.int32)
    mod = BVS - 1
    first = jnp.full(t[..., :1].shape, mod, dtype=jnp.int32)
    rest = jnp.mod(jnp.bitwise_xor(36313 * t[..., 1:], 27191 * t[..., :-1]), mod)
    o = jnp.concatenate([first, rest], axis=-1)
    # embedding lookup (gather); bd == md so no projection (proj is None)
    h = jnp.take(emb, o, axis=0)
    return h * scale.astype(h.dtype)

if __name__ == "__main__":
    import jax
    _d = setup_inputs()
    print(jax.jit(kernel)(*tuple(_d.values())))

</pallas_src>

<mosaic_0001>
#map = affine_map<(d0, d1) -> (0)>
#map1 = affine_map<(d0, d1) -> (0, 0)>
module attributes {stable_mosaic.version = 14 : i64} {
  func.func @_bigram_gather(%arg0: i32, %arg1: i32, %arg2: memref<16384xi32, #tpu.memory_space<hbm>>, %arg3: memref<1000000x64xf32, #tpu.memory_space<hbm>>, %arg4: memref<16xf32, #tpu.memory_space<hbm>>, %arg5: memref<16384x64xf32, #tpu.memory_space<hbm>>, %arg6: memref<520xi32, #tpu.memory_space<vmem>>, %arg7: memref<512x64xf32, #tpu.memory_space<vmem>>, %arg8: memref<16xf32, #tpu.memory_space<vmem>>, %arg9: memref<!tpu.dma_semaphore, #tpu.memory_space<semaphore_mem>>) attributes {dimension_semantics = [#tpu.dimension_semantics<core_parallel>, #tpu.dimension_semantics<subcore_parallel>], iteration_bounds = array<i64: 2, 16>, scalar_prefetch = 0 : i64, scratch_operands = 4 : i64, tpu.core_type = #tpu.core_type<sc_vector_subcore>, window_params = [{transform_indices = #map}, {transform_indices = #map1}, {transform_indices = #map}, {transform_indices = #map1}]} {
    %mul3A = arith.constant 2 : i32
    %mul3A_0 = arith.muli %arg1, %mul3A : i32
    %add3A = arith.addi %mul3A_0, %arg0 : i32
    %mul3A_1 = arith.constant 512 : i32
    %mul3A_2 = arith.muli %add3A, %mul3A_1 : i32
    "tpu.region"() ({
      %run_scoped3A = tpu.sem_alloc : memref<!tpu.dma_semaphore, #tpu.memory_space<semaphore_mem>>
      tpu.enqueue_dma source(%arg4 : memref<16xf32, #tpu.memory_space<hbm>>) target(%arg8 : memref<16xf32, #tpu.memory_space<vmem>>) target_semaphore(%run_scoped3A : memref<!tpu.dma_semaphore, #tpu.memory_space<semaphore_mem>>)
      tpu.wait_dma2 semaphore(%run_scoped3A : memref<!tpu.dma_semaphore, #tpu.memory_space<semaphore_mem>>) src(%arg4 : memref<16xf32, #tpu.memory_space<hbm>>) dst(%arg8 : memref<16xf32, #tpu.memory_space<vmem>>)
      tpu.yield
    }) : () -> ()
    "tpu.region"() ({
      %run_scoped3A = tpu.sem_alloc : memref<!tpu.dma_semaphore, #tpu.memory_space<semaphore_mem>>
      %dma_start3A = arith.constant 8 : i32
      %dma_start3A_21 = tpu.memref_slice %arg6[%dma_start3A] : memref<520xi32, #tpu.memory_space<vmem>> -> memref<512xi32, #tpu.memory_space<vmem>>
      %dma_start3A_22 = tpu.memref_slice %arg2[%mul3A_2] : memref<16384xi32, #tpu.memory_space<hbm>> -> memref<512xi32, #tpu.memory_space<hbm>>
      %dma_start3A_23 = arith.constant 8 : i32
      %dma_start3A_24 = tpu.memref_slice %arg6[%dma_start3A_23] : memref<520xi32, #tpu.memory_space<vmem>> -> memref<512xi32, #tpu.memory_space<vmem>>
      %dma_start3A_25 = tpu.memref_slice %arg2[%mul3A_2] : memref<16384xi32, #tpu.memory_space<hbm>> -> memref<512xi32, #tpu.memory_space<hbm>>
      tpu.enqueue_dma source(%dma_start3A_25 : memref<512xi32, #tpu.memory_space<hbm>>) target(%dma_start3A_24 : memref<512xi32, #tpu.memory_space<vmem>>) target_semaphore(%run_scoped3A : memref<!tpu.dma_semaphore, #tpu.memory_space<semaphore_mem>>)
      %dma_wait3A_26 = arith.constant 8 : i32
      %dma_wait3A_27 = tpu.memref_slice %arg6[%dma_wait3A_26] : memref<520xi32, #tpu.memory_space<vmem>> -> memref<512xi32, #tpu.memory_space<vmem>>
      %dma_wait3A_28 = tpu.memref_slice %arg2[%mul3A_2] : memref<16384xi32, #tpu.memory_space<hbm>> -> memref<512xi32, #tpu.memory_space<hbm>>
      %dma_wait3A_29 = arith.constant 8 : i32
      %dma_wait3A_30 = tpu.memref_slice %arg6[%dma_wait3A_29] : memref<520xi32, #tpu.memory_space<vmem>> -> memref<512xi32, #tpu.memory_space<vmem>>
      %dma_wait3A_31 = tpu.memref_slice %arg2[%mul3A_2] : memref<16384xi32, #tpu.memory_space<hbm>> -> memref<512xi32, #tpu.memory_space<hbm>>
      tpu.wait_dma2 semaphore(%run_scoped3A : memref<!tpu.dma_semaphore, #tpu.memory_space<semaphore_mem>>) src(%dma_wait3A_31 : memref<512xi32, #tpu.memory_space<hbm>>) dst(%dma_wait3A_30 : memref<512xi32, #tpu.memory_space<vmem>>)
      tpu.yield
    }) : () -> ()
    %ne3A = arith.constant 0 : i32
    %ne3A_3 = arith.cmpi ne, %add3A, %ne3A : i32
    %convert_element_type3A = arith.extui %ne3A_3 : i1 to i32
    %cond3A = arith.constant 0 : i32
    %cond3A_4 = arith.cmpi ne, %convert_element_type3A, %cond3A : i32
    scf.if %cond3A_4 {
      %sub3A = arith.constant 8 : i32
      %sub3A_21 = arith.subi %mul3A_2, %sub3A : i32
      "tpu.region"() ({
        %run_scoped3A = tpu.sem_alloc : memref<!tpu.dma_semaphore, #tpu.memory_space<semaphore_mem>>
        %dma_start3A = arith.constant 0 : i32
        %dma_start3A_22 = tpu.memref_slice %arg6[%dma_start3A] : memref<520xi32, #tpu.memory_space<vmem>> -> memref<8xi32, #tpu.memory_space<vmem>>
        %dma_start3A_23 = tpu.memref_slice %arg2[%sub3A_21] : memref<16384xi32, #tpu.memory_space<hbm>> -> memref<8xi32, #tpu.memory_space<hbm>>
        %dma_start3A_24 = arith.constant 0 : i32
        %dma_start3A_25 = tpu.memref_slice %arg6[%dma_start3A_24] : memref<520xi32, #tpu.memory_space<vmem>> -> memref<8xi32, #tpu.memory_space<vmem>>
        %dma_start3A_26 = tpu.memref_slice %arg2[%sub3A_21] : memref<16384xi32, #tpu.memory_space<hbm>> -> memref<8xi32, #tpu.memory_space<hbm>>
        tpu.enqueue_dma source(%dma_start3A_26 : memref<8xi32, #tpu.memory_space<hbm>>) target(%dma_start3A_25 : memref<8xi32, #tpu.memory_space<vmem>>) target_semaphore(%run_scoped3A : memref<!tpu.dma_semaphore, #tpu.memory_space<semaphore_mem>>)
        %dma_wait3A_27 = arith.constant 0 : i32
        %dma_wait3A_28 = tpu.memref_slice %arg6[%dma_wait3A_27] : memref<520xi32, #tpu.memory_space<vmem>> -> memref<8xi32, #tpu.memory_space<vmem>>
        %dma_wait3A_29 = tpu.memref_slice %arg2[%sub3A_21] : memref<16384xi32, #tpu.memory_space<hbm>> -> memref<8xi32, #tpu.memory_space<hbm>>
        %dma_wait3A_30 = arith.constant 0 : i32
        %dma_wait3A_31 = tpu.memref_slice %arg6[%dma_wait3A_30] : memref<520xi32, #tpu.memory_space<vmem>> -> memref<8xi32, #tpu.memory_space<vmem>>
        %dma_wait3A_32 = tpu.memref_slice %arg2[%sub3A_21] : memref<16384xi32, #tpu.memory_space<hbm>> -> memref<8xi32, #tpu.memory_space<hbm>>
        tpu.wait_dma2 semaphore(%run_scoped3A : memref<!tpu.dma_semaphore, #tpu.memory_space<semaphore_mem>>) src(%dma_wait3A_32 : memref<8xi32, #tpu.memory_space<hbm>>) dst(%dma_wait3A_31 : memref<8xi32, #tpu.memory_space<vmem>>)
        tpu.yield
      }) : () -> ()
    } else {
    }
    %iota3A = tpu.iota {dimensions = array<i32: 0>} : vector<16xi32>
    %scan3A = arith.constant 0 : i32
    %scan3A_5 = arith.constant 0 : i32
    %scan3A_6 = arith.constant 32 : i32
    %scan3A_7 = arith.addi %scan3A_5, %scan3A_6 : i32
    %scan3A_8 = arith.constant 1 : i32
    scf.for %scan3A_21 = %scan3A_5 to %scan3A_7 step %scan3A_8  : i32 {
      %mul3A_22 = arith.constant 16 : i32
      %mul3A_23 = arith.muli %scan3A_21, %mul3A_22 : i32
      %add3A_24 = arith.constant 8 : i32
      %add3A_25 = arith.addi %add3A_24, %mul3A_23 : i32
      %get3A_26 = arith.index_cast %add3A_25 : i32 to index
      %get3A_27 = tpu.vector_load %arg6[%get3A_26] {strides = array<i32>} : memref<520xi32, #tpu.memory_space<vmem>>, vector<16xi32>,
      %get3A_28 = vector.shape_cast %get3A_27 : vector<16xi32> to vector<16xi32>
      %mul3A_29 = arith.constant 16 : i32
      %mul3A_30 = arith.muli %scan3A_21, %mul3A_29 : i32
      %add3A_31 = arith.constant 7 : i32
      %add3A_32 = arith.addi %add3A_31, %mul3A_30 : i32
      %get3A_33 = arith.index_cast %add3A_32 : i32 to index
      %get3A_34 = tpu.vector_load %arg6[%get3A_33] {strides = array<i32>} : memref<520xi32, #tpu.memory_space<vmem>>, vector<16xi32>,
      %get3A_35 = vector.shape_cast %get3A_34 : vector<16xi32> to vector<16xi32>
      %mul3A_36 = arith.constant 36313 : i32
      %mul3A_37 = vector.broadcast %mul3A_36 : i32 to vector<16xi32>
      %mul3A_38 = arith.muli %get3A_28, %mul3A_37 : vector<16xi32>
      %mul3A_39 = arith.constant 27191 : i32
      %mul3A_40 = vector.broadcast %mul3A_39 : i32 to vector<16xi32>
      %mul3A_41 = arith.muli %get3A_35, %mul3A_40 : vector<16xi32>
      %xor3A = arith.xori %mul3A_38, %mul3A_41 : vector<16xi32>
      %rem3A = arith.constant 999999 : i32
      %rem3A_42 = vector.broadcast %rem3A : i32 to vector<16xi32>
      %rem3A_43 = arith.remsi %xor3A, %rem3A_42 : vector<16xi32>
      %mul3A_44 = arith.constant 16 : i32
      %mul3A_45 = arith.muli %scan3A_21, %mul3A_44 : i32
      %add3A_46 = arith.addi %mul3A_2, %mul3A_45 : i32
      %add3A_47 = vector.broadcast %add3A_46 : i32 to vector<16xi32>
      %add3A_48 = arith.addi %add3A_47, %iota3A : vector<16xi32>
      %and3A = arith.constant 4095 : i32
      %and3A_49 = vector.broadcast %and3A : i32 to vector<16xi32>
      %and3A_50 = arith.andi %add3A_48, %and3A_49 : vector<16xi32>
      %eq3A = arith.constant 0 : i32
      %eq3A_51 = vector.broadcast %eq3A : i32 to vector<16xi32>
      %eq3A_52 = arith.cmpi eq, %and3A_50, %eq3A_51 : vector<16xi32>
      %jit3A = arith.constant 999999 : i32
      %broadcast_in_dim3A = vector.broadcast %jit3A : i32 to vector<16xi32>
      %select_n3A = arith.select %eq3A_52, %broadcast_in_dim3A, %rem3A_43 : vector<16xi1>, vector<16xi32>
      %mul3A_53 = arith.constant 16 : i32
      %mul3A_54 = arith.muli %scan3A_21, %mul3A_53 : i32
      %slice3A = vector.extract_strided_slice %select_n3A {offsets = [0], sizes = [1], strides = [1]} : vector<16xi32> to vector<1xi32>
      %squeeze3A = vector.extract %slice3A[0] : i32 from vector<1xi32>
      %add3A_55 = arith.constant 0 : i32
      %add3A_56 = arith.addi %mul3A_54, %add3A_55 : i32
      %dma_start3A = arith.constant 0 : i32
      %dma_start3A_57 = tpu.memref_slice %arg7[%add3A_56, %dma_start3A] : memref<512x64xf32, #tpu.memory_space<vmem>> -> memref<1x64xf32, #tpu.memory_space<vmem>>
      %dma_start3A_58 = tpu.memref_squeeze %dma_start3A_57 : memref<1x64xf32, #tpu.memory_space<vmem>> -> memref<64xf32, #tpu.memory_space<vmem>>
      %dma_start3A_59 = arith.constant 0 : i32
      %dma_start3A_60 = tpu.memref_slice %arg3[%squeeze3A, %dma_start3A_59] : memref<1000000x64xf32, #tpu.memory_space<hbm>> -> memref<1x64xf32, #tpu.memory_space<hbm>>
      %dma_start3A_61 = tpu.memref_squeeze %dma_start3A_60 : memref<1x64xf32, #tpu.memory_space<hbm>> -> memref<64xf32, #tpu.memory_space<hbm>>
      %dma_start3A_62 = arith.constant 0 : i32
      %dma_start3A_63 = tpu.memref_slice %arg7[%add3A_56, %dma_start3A_62] : memref<512x64xf32, #tpu.memory_space<vmem>> -> memref<1x64xf32, #tpu.memory_space<vmem>>
      %dma_start3A_64 = tpu.memref_squeeze %dma_start3A_63 : memref<1x64xf32, #tpu.memory_space<vmem>> -> memref<64xf32, #tpu.memory_space<vmem>>
      %dma_start3A_65 = arith.constant 0 : i32
      %dma_start3A_66 = tpu.memref_slice %arg3[%squeeze3A, %dma_start3A_65] : memref<1000000x64xf32, #tpu.memory_space<hbm>> -> memref<1x64xf32, #tpu.memory_space<hbm>>
      %dma_start3A_67 = tpu.memref_squeeze %dma_start3A_66 : memref<1x64xf32, #tpu.memory_space<hbm>> -> memref<64xf32, #tpu.memory_space<hbm>>
      tpu.enqueue_dma source(%dma_start3A_67 : memref<64xf32, #tpu.memory_space<hbm>>) target(%dma_start3A_64 : memref<64xf32, #tpu.memory_space<vmem>>) target_semaphore(%arg9 : memref<!tpu.dma_semaphore, #tpu.memory_space<semaphore_mem>>)
      %slice3A_68 = vector.extract_strided_slice %select_n3A {offsets = [1], sizes = [1], strides = [1]} : vector<16xi32> to vector<1xi32>
      %squeeze3A_69 = vector.extract %slice3A_68[0] : i32 from vector<1xi32>
      %add3A_70 = arith.constant 1 : i32
      %add3A_71 = arith.addi %mul3A_54, %add3A_70 : i32
      %dma_start3A_72 = arith.constant 0 : i32
      %dma_start3A_73 = tpu.memref_slice %arg7[%add3A_71, %dma_start3A_72] : memref<512x64xf32, #tpu.memory_space<vmem>> -> memref<1x64xf32, #tpu.memory_space<vmem>>
      %dma_start3A_74 = tpu.memref_squeeze %dma_start3A_73 : memref<1x64xf32, #tpu.memory_space<vmem>> -> memref<64xf32, #tpu.memory_space<vmem>>
      %dma_start3A_75 = arith.constant 0 : i32
      %dma_start3A_76 = tpu.memref_slice %arg3[%squeeze3A_69, %dma_start3A_75] : memref<1000000x64xf32, #tpu.memory_space<hbm>> -> memref<1x64xf32, #tpu.memory_space<hbm>>
      %dma_start3A_77 = tpu.memref_squeeze %dma_start3A_76 : memref<1x64xf32, #tpu.memory_space<hbm>> -> memref<64xf32, #tpu.memory_space<hbm>>
      %dma_start3A_78 = arith.constant 0 : i32
      %dma_start3A_79 = tpu.memref_slice %arg7[%add3A_71, %dma_start3A_78] : memref<512x64xf32, #tpu.memory_space<vmem>> -> memref<1x64xf32, #tpu.memory_space<vmem>>
      %dma_start3A_80 = tpu.memref_squeeze %dma_start3A_79 : memref<1x64xf32, #tpu.memory_space<vmem>> -> memref<64xf32, #tpu.memory_space<vmem>>
      %dma_start3A_81 = arith.constant 0 : i32
      %dma_start3A_82 = tpu.memref_slice %arg3[%squeeze3A_69, %dma_start3A_81] : memref<1000000x64xf32, #tpu.memory_space<hbm>> -> memref<1x64xf32, #tpu.memory_space<hbm>>
      %dma_start3A_83 = tpu.memref_squeeze %dma_start3A_82 : memref<1x64xf32, #tpu.memory_space<hbm>> -> memref<64xf32, #tpu.memory_space<hbm>>
      tpu.enqueue_dma source(%dma_start3A_83 : memref<64xf32, #tpu.memory_space<hbm>>) target(%dma_start3A_80 : memref<64xf32, #tpu.memory_space<vmem>>) target_semaphore(%arg9 : memref<!tpu.dma_semaphore, #tpu.memory_space<semaphore_mem>>)
      %slice3A_84 = vector.extract_strided_slice %select_n3A {offsets = [2], sizes = [1], strides = [1]} : vector<16xi32> to vector<1xi32>
      %squeeze3A_85 = vector.extract %slice3A_84[0] : i32 from vector<1xi32>
      %add3A_86 = arith.constant 2 : i32
      %add3A_87 = arith.addi %mul3A_54, %add3A_86 : i32
      %dma_start3A_88 = arith.constant 0 : i32
      %dma_start3A_89 = tpu.memref_slice %arg7[%add3A_87, %dma_start3A_88] : memref<512x64xf32, #tpu.memory_space<vmem>> -> memref<1x64xf32, #tpu.memory_space<vmem>>
      %dma_start3A_90 = tpu.memref_squeeze %dma_start3A_89 : memref<1x64xf32, #tpu.memory_space<vmem>> -> memref<64xf32, #tpu.memory_space<vmem>>
      %dma_start3A_91 = arith.constant 0 : i32
      %dma_start3A_92 = tpu.memref_slice %arg3[%squeeze3A_85, %dma_start3A_91] : memref<1000000x64xf32, #tpu.memory_space<hbm>> -> memref<1x64xf32, #tpu.memory_space<hbm>>
      %dma_start3A_93 = tpu.memref_squeeze %dma_start3A_92 : memref<1x64xf32, #tpu.memory_space<hbm>> -> memref<64xf32, #tpu.memory_space<hbm>>
      %dma_start3A_94 = arith.constant 0 : i32
      %dma_start3A_95 = tpu.memref_slice %arg7[%add3A_87, %dma_start3A_94] : memref<512x64xf32, #tpu.memory_space<vmem>> -> memref<1x64xf32, #tpu.memory_space<vmem>>
      %dma_start3A_96 = tpu.memref_squeeze %dma_start3A_95 : memref<1x64xf32, #tpu.memory_space<vmem>> -> memref<64xf32, #tpu.memory_space<vmem>>
      %dma_start3A_97 = arith.constant 0 : i32
      %dma_start3A_98 = tpu.memref_slice %arg3[%squeeze3A_85, %dma_start3A_97] : memref<1000000x64xf32, #tpu.memory_space<hbm>> -> memref<1x64xf32, #tpu.memory_space<hbm>>
      %dma_start3A_99 = tpu.memref_squeeze %dma_start3A_98 : memref<1x64xf32, #tpu.memory_space<hbm>> -> memref<64xf32, #tpu.memory_space<hbm>>
      tpu.enqueue_dma source(%dma_start3A_99 : memref<64xf32, #tpu.memory_space<hbm>>) target(%dma_start3A_96 : memref<64xf32, #tpu.memory_space<vmem>>) target_semaphore(%arg9 : memref<!tpu.dma_semaphore, #tpu.memory_space<semaphore_mem>>)
      %slice3A_100 = vector.extract_strided_slice %select_n3A {offsets = [3], sizes = [1], strides = [1]} : vector<16xi32> to vector<1xi32>
      %squeeze3A_101 = vector.extract %slice3A_100[0] : i32 from vector<1xi32>
      %add3A_102 = arith.constant 3 : i32
      %add3A_103 = arith.addi %mul3A_54, %add3A_102 : i32
      %dma_start3A_104 = arith.constant 0 : i32
      %dma_start3A_105 = tpu.memref_slice %arg7[%add3A_103, %dma_start3A_104] : memref<512x64xf32, #tpu.memory_space<vmem>> -> memref<1x64xf32, #tpu.memory_space<vmem>>
      %dma_start3A_106 = tpu.memref_squeeze %dma_start3A_105 : memref<1x64xf32, #tpu.memory_space<vmem>> -> memref<64xf32, #tpu.memory_space<vmem>>
      %dma_start3A_107 = arith.constant 0 : i32
      %dma_start3A_108 = tpu.memref_slice %arg3[%squeeze3A_101, %dma_start3A_107] : memref<1000000x64xf32, #tpu.memory_space<hbm>> -> memref<1x64xf32, #tpu.memory_space<hbm>>
      %dma_start3A_109 = tpu.memref_squeeze %dma_start3A_108 : memref<1x64xf32, #tpu.memory_space<hbm>> -> memref<64xf32, #tpu.memory_space<hbm>>
      %dma_start3A_110 = arith.constant 0 : i32
      %dma_start3A_111 = tpu.memref_slice %arg7[%add3A_103, %dma_start3A_110] : memref<512x64xf32, #tpu.memory_space<vmem>> -> memref<1x64xf32, #tpu.memory_space<vmem>>
      %dma_start3A_112 = tpu.memref_squeeze %dma_start3A_111 : memref<1x64xf32, #tpu.memory_space<vmem>> -> memref<64xf32, #tpu.memory_space<vmem>>
      %dma_start3A_113 = arith.constant 0 : i32
      %dma_start3A_114 = tpu.memref_slice %arg3[%squeeze3A_101, %dma_start3A_113] : memref<1000000x64xf32, #tpu.memory_space<hbm>> -> memref<1x64xf32, #tpu.memory_space<hbm>>
      %dma_start3A_115 = tpu.memref_squeeze %dma_start3A_114 : memref<1x64xf32, #tpu.memory_space<hbm>> -> memref<64xf32, #tpu.memory_space<hbm>>
      tpu.enqueue_dma source(%dma_start3A_115 : memref<64xf32, #tpu.memory_space<hbm>>) target(%dma_start3A_112 : memref<64xf32, #tpu.memory_space<vmem>>) target_semaphore(%arg9 : memref<!tpu.dma_semaphore, #tpu.memory_space<semaphore_mem>>)
      %slice3A_116 = vector.extract_strided_slice %select_n3A {offsets = [4], sizes = [1], strides = [1]} : vector<16xi32> to vector<1xi32>
      %squeeze3A_117 = vector.extract %slice3A_116[0] : i32 from vector<1xi32>
      %add3A_118 = arith.constant 4 : i32
      %add3A_119 = arith.addi %mul3A_54, %add3A_118 : i32
      %dma_start3A_120 = arith.constant 0 : i32
      %dma_start3A_121 = tpu.memref_slice %arg7[%add3A_119, %dma_start3A_120] : memref<512x64xf32, #tpu.memory_space<vmem>> -> memref<1x64xf32, #tpu.memory_space<vmem>>
      %dma_start3A_122 = tpu.memref_squeeze %dma_start3A_121 : memref<1x64xf32, #tpu.memory_space<vmem>> -> memref<64xf32, #tpu.memory_space<vmem>>
      %dma_start3A_123 = arith.constant 0 : i32
      %dma_start3A_124 = tpu.memref_slice %arg3[%squeeze3A_117, %dma_start3A_123] : memref<1000000x64xf32, #tpu.memory_space<hbm>> -> memref<1x64xf32, #tpu.memory_space<hbm>>
      %dma_start3A_125 = tpu.memref_squeeze %dma_start3A_124 : memref<1x64xf32, #tpu.memory_space<hbm>> -> memref<64xf32, #tpu.memory_space<hbm>>
      %dma_start3A_126 = arith.constant 0 : i32
      %dma_start3A_127 = tpu.memref_slice %arg7[%add3A_119, %dma_start3A_126] : memref<512x64xf32, #tpu.memory_space<vmem>> -> memref<1x64xf32, #tpu.memory_space<vmem>>
      %dma_start3A_128 = tpu.memref_squeeze %dma_start3A_127 : memref<1x64xf32, #tpu.memory_space<vmem>> -> memref<64xf32, #tpu.memory_space<vmem>>
      %dma_start3A_129 = arith.constant 0 : i32
      %dma_start3A_130 = tpu.memref_slice %arg3[%squeeze3A_117, %dma_start3A_129] : memref<1000000x64xf32, #tpu.memory_space<hbm>> -> memref<1x64xf32, #tpu.memory_space<hbm>>
      %dma_start3A_131 = tpu.memref_squeeze %dma_start3A_130 : memref<1x64xf32, #tpu.memory_space<hbm>> -> memref<64xf32, #tpu.memory_space<hbm>>
      tpu.enqueue_dma source(%dma_start3A_131 : memref<64xf32, #tpu.memory_space<hbm>>) target(%dma_start3A_128 : memref<64xf32, #tpu.memory_space<vmem>>) target_semaphore(%arg9 : memref<!tpu.dma_semaphore, #tpu.memory_space<semaphore_mem>>)
      %slice3A_132 = vector.extract_strided_slice %select_n3A {offsets = [5], sizes = [1], strides = [1]} : vector<16xi32> to vector<1xi32>
      %squeeze3A_133 = vector.extract %slice3A_132[0] : i32 from vector<1xi32>
      %add3A_134 = arith.constant 5 : i32
      %add3A_135 = arith.addi %mul3A_54, %add3A_134 : i32
      %dma_start3A_136 = arith.constant 0 : i32
      %dma_start3A_137 = tpu.memref_slice %arg7[%add3A_135, %dma_start3A_136] : memref<512x64xf32, #tpu.memory_space<vmem>> -> memref<1x64xf32, #tpu.memory_space<vmem>>
      %dma_start3A_138 = tpu.memref_squeeze %dma_start3A_137 : memref<1x64xf32, #tpu.memory_space<vmem>> -> memref<64xf32, #tpu.memory_space<vmem>>
      %dma_start3A_139 = arith.constant 0 : i32
      %dma_start3A_140 = tpu.memref_slice %arg3[%squeeze3A_133, %dma_start3A_139] : memref<1000000x64xf32, #tpu.memory_space<hbm>> -> memref<1x64xf32, #tpu.memory_space<hbm>>
      %dma_start3A_141 = tpu.memref_squeeze %dma_start3A_140 : memref<1x64xf32, #tpu.memory_space<hbm>> -> memref<64xf32, #tpu.memory_space<hbm>>
      %dma_start3A_142 = arith.constant 0 : i32
      %dma_start3A_143 = tpu.memref_slice %arg7[%add3A_135, %dma_start3A_142] : memref<512x64xf32, #tpu.memory_space<vmem>> -> memref<1x64xf32, #tpu.memory_space<vmem>>
      %dma_start3A_144 = tpu.memref_squeeze %dma_start3A_143 : memref<1x64xf32, #tpu.memory_space<vmem>> -> memref<64xf32, #tpu.memory_space<vmem>>
      %dma_start3A_145 = arith.constant 0 : i32
      %dma_start3A_146 = tpu.memref_slice %arg3[%squeeze3A_133, %dma_start3A_145] : memref<1000000x64xf32, #tpu.memory_space<hbm>> -> memref<1x64xf32, #tpu.memory_space<hbm>>
      %dma_start3A_147 = tpu.memref_squeeze %dma_start3A_146 : memref<1x64xf32, #tpu.memory_space<hbm>> -> memref<64xf32, #tpu.memory_space<hbm>>
      tpu.enqueue_dma source(%dma_start3A_147 : memref<64xf32, #tpu.memory_space<hbm>>) target(%dma_start3A_144 : memref<64xf32, #tpu.memory_space<vmem>>) target_semaphore(%arg9 : memref<!tpu.dma_semaphore, #tpu.memory_space<semaphore_mem>>)
      %slice3A_148 = vector.extract_strided_slice %select_n3A {offsets = [6], sizes = [1], strides = [1]} : vector<16xi32> to vector<1xi32>
      %squeeze3A_149 = vector.extract %slice3A_148[0] : i32 from vector<1xi32>
      %add3A_150 = arith.constant 6 : i32
      %add3A_151 = arith.addi %mul3A_54, %add3A_150 : i32
      %dma_start3A_152 = arith.constant 0 : i32
      %dma_start3A_153 = tpu.memref_slice %arg7[%add3A_151, %dma_start3A_152] : memref<512x64xf32, #tpu.memory_space<vmem>> -> memref<1x64xf32, #tpu.memory_space<vmem>>
      %dma_start3A_154 = tpu.memref_squeeze %dma_start3A_153 : memref<1x64xf32, #tpu.memory_space<vmem>> -> memref<64xf32, #tpu.memory_space<vmem>>
      %dma_start3A_155 = arith.constant 0 : i32
      %dma_start3A_156 = tpu.memref_slice %arg3[%squeeze3A_149, %dma_start3A_155] : memref<1000000x64xf32, #tpu.memory_space<hbm>> -> memref<1x64xf32, #tpu.memory_space<hbm>>
      %dma_start3A_157 = tpu.memref_squeeze %dma_start3A_156 : memref<1x64xf32, #tpu.memory_space<hbm>> -> memref<64xf32, #tpu.memory_space<hbm>>
      %dma_start3A_158 = arith.constant 0 : i32
      %dma_start3A_159 = tpu.memref_slice %arg7[%add3A_151, %dma_start3A_158] : memref<512x64xf32, #tpu.memory_space<vmem>> -> memref<1x64xf32, #tpu.memory_space<vmem>>
      %dma_start3A_160 = tpu.memref_squeeze %dma_start3A_159 : memref<1x64xf32, #tpu.memory_space<vmem>> -> memref<64xf32, #tpu.memory_space<vmem>>
      %dma_start3A_161 = arith.constant 0 : i32
      %dma_start3A_162 = tpu.memref_slice %arg3[%squeeze3A_149, %dma_start3A_161] : memref<1000000x64xf32, #tpu.memory_space<hbm>> -> memref<1x64xf32, #tpu.memory_space<hbm>>
      %dma_start3A_163 = tpu.memref_squeeze %dma_start3A_162 : memref<1x64xf32, #tpu.memory_space<hbm>> -> memref<64xf32, #tpu.memory_space<hbm>>
      tpu.enqueue_dma source(%dma_start3A_163 : memref<64xf32, #tpu.memory_space<hbm>>) target(%dma_start3A_160 : memref<64xf32, #tpu.memory_space<vmem>>) target_semaphore(%arg9 : memref<!tpu.dma_semaphore, #tpu.memory_space<semaphore_mem>>)
      %slice3A_164 = vector.extract_strided_slice %select_n3A {offsets = [7], sizes = [1], strides = [1]} : vector<16xi32> to vector<1xi32>
      %squeeze3A_165 = vector.extract %slice3A_164[0] : i32 from vector<1xi32>
      %add3A_166 = arith.constant 7 : i32
      %add3A_167 = arith.addi %mul3A_54, %add3A_166 : i32
      %dma_start3A_168 = arith.constant 0 : i32
      %dma_start3A_169 = tpu.memref_slice %arg7[%add3A_167, %dma_start3A_168] : memref<512x64xf32, #tpu.memory_space<vmem>> -> memref<1x64xf32, #tpu.memory_space<vmem>>
      %dma_start3A_170 = tpu.memref_squeeze %dma_start3A_169 : memref<1x64xf32, #tpu.memory_space<vmem>> -> memref<64xf32, #tpu.memory_space<vmem>>
      %dma_start3A_171 = arith.constant 0 : i32
      %dma_start3A_172 = tpu.memref_slice %arg3[%squeeze3A_165, %dma_start3A_171] : memref<1000000x64xf32, #tpu.memory_space<hbm>> -> memref<1x64xf32, #tpu.memory_space<hbm>>
      %dma_start3A_173 = tpu.memref_squeeze %dma_start3A_172 : memref<1x64xf32, #tpu.memory_space<hbm>> -> memref<64xf32, #tpu.memory_space<hbm>>
      %dma_start3A_174 = arith.constant 0 : i32
      %dma_start3A_175 = tpu.memref_slice %arg7[%add3A_167, %dma_start3A_174] : memref<512x64xf32, #tpu.memory_space<vmem>> -> memref<1x64xf32, #tpu.memory_space<vmem>>
      %dma_start3A_176 = tpu.memref_squeeze %dma_start3A_175 : memref<1x64xf32, #tpu.memory_space<vmem>> -> memref<64xf32, #tpu.memory_space<vmem>>
      %dma_start3A_177 = arith.constant 0 : i32
      %dma_start3A_178 = tpu.memref_slice %arg3[%squeeze3A_165, %dma_start3A_177] : memref<1000000x64xf32, #tpu.memory_space<hbm>> -> memref<1x64xf32, #tpu.memory_space<hbm>>
      %dma_start3A_179 = tpu.memref_squeeze %dma_start3A_178 : memref<1x64xf32, #tpu.memory_space<hbm>> -> memref<64xf32, #tpu.memory_space<hbm>>
      tpu.enqueue_dma source(%dma_start3A_179 : memref<64xf32, #tpu.memory_space<hbm>>) target(%dma_start3A_176 : memref<64xf32, #tpu.memory_space<vmem>>) target_semaphore(%arg9 : memref<!tpu.dma_semaphore, #tpu.memory_space<semaphore_mem>>)
      %slice3A_180 = vector.extract_strided_slice %select_n3A {offsets = [8], sizes = [1], strides = [1]} : vector<16xi32> to vector<1xi32>
      %squeeze3A_181 = vector.extract %slice3A_180[0] : i32 from vector<1xi32>
      %add3A_182 = arith.constant 8 : i32
      %add3A_183 = arith.addi %mul3A_54, %add3A_182 : i32
      %dma_start3A_184 = arith.constant 0 : i32
      %dma_start3A_185 = tpu.memref_slice %arg7[%add3A_183, %dma_start3A_184] : memref<512x64xf32, #tpu.memory_space<vmem>> -> memref<1x64xf32, #tpu.memory_space<vmem>>
      %dma_start3A_186 = tpu.memref_squeeze %dma_start3A_185 : memref<1x64xf32, #tpu.memory_space<vmem>> -> memref<64xf32, #tpu.memory_space<vmem>>
      %dma_start3A_187 = arith.constant 0 : i32
      %dma_start3A_188 = tpu.memref_slice %arg3[%squeeze3A_181, %dma_start3A_187] : memref<1000000x64xf32, #tpu.memory_space<hbm>> -> memref<1x64xf32, #tpu.memory_space<hbm>>
      %dma_start3A_189 = tpu.memref_squeeze %dma_start3A_188 : memref<1x64xf32, #tpu.memory_space<hbm>> -> memref<64xf32, #tpu.memory_space<hbm>>
      %dma_start3A_190 = arith.constant 0 : i32
      %dma_start3A_191 = tpu.memref_slice %arg7[%add3A_183, %dma_start3A_190] : memref<512x64xf32, #tpu.memory_space<vmem>> -> memref<1x64xf32, #tpu.memory_space<vmem>>
      %dma_start3A_192 = tpu.memref_squeeze %dma_start3A_191 : memref<1x64xf32, #tpu.memory_space<vmem>> -> memref<64xf32, #tpu.memory_space<vmem>>
      %dma_start3A_193 = arith.constant 0 : i32
      %dma_start3A_194 = tpu.memref_slice %arg3[%squeeze3A_181, %dma_start3A_193] : memref<1000000x64xf32, #tpu.memory_space<hbm>> -> memref<1x64xf32, #tpu.memory_space<hbm>>
      %dma_start3A_195 = tpu.memref_squeeze %dma_start3A_194 : memref<1x64xf32, #tpu.memory_space<hbm>> -> memref<64xf32, #tpu.memory_space<hbm>>
      tpu.enqueue_dma source(%dma_start3A_195 : memref<64xf32, #tpu.memory_space<hbm>>) target(%dma_start3A_192 : memref<64xf32, #tpu.memory_space<vmem>>) target_semaphore(%arg9 : memref<!tpu.dma_semaphore, #tpu.memory_space<semaphore_mem>>)
      %slice3A_196 = vector.extract_strided_slice %select_n3A {offsets = [9], sizes = [1], strides = [1]} : vector<16xi32> to vector<1xi32>
      %squeeze3A_197 = vector.extract %slice3A_196[0] : i32 from vector<1xi32>
      %add3A_198 = arith.constant 9 : i32
      %add3A_199 = arith.addi %mul3A_54, %add3A_198 : i32
      %dma_start3A_200 = arith.constant 0 : i32
      %dma_start3A_201 = tpu.memref_slice %arg7[%add3A_199, %dma_start3A_200] : memref<512x64xf32, #tpu.memory_space<vmem>> -> memref<1x64xf32, #tpu.memory_space<vmem>>
      %dma_start3A_202 = tpu.memref_squeeze %dma_start3A_201 : memref<1x64xf32, #tpu.memory_space<vmem>> -> memref<64xf32, #tpu.memory_space<vmem>>
      %dma_start3A_203 = arith.constant 0 : i32
      %dma_start3A_204 = tpu.memref_slice %arg3[%squeeze3A_197, %dma_start3A_203] : memref<1000000x64xf32, #tpu.memory_space<hbm>> -> memref<1x64xf32, #tpu.memory_space<hbm>>
      %dma_start3A_205 = tpu.memref_squeeze %dma_start3A_204 : memref<1x64xf32, #tpu.memory_space<hbm>> -> memref<64xf32, #tpu.memory_space<hbm>>
      %dma_start3A_206 = arith.constant 0 : i32
      %dma_start3A_207 = tpu.memref_slice %arg7[%add3A_199, %dma_start3A_206] : memref<512x64xf32, #tpu.memory_space<vmem>> -> memref<1x64xf32, #tpu.memory_space<vmem>>
      %dma_start3A_208 = tpu.memref_squeeze %dma_start3A_207 : memref<1x64xf32, #tpu.memory_space<vmem>> -> memref<64xf32, #tpu.memory_space<vmem>>
      %dma_start3A_209 = arith.constant 0 : i32
      %dma_start3A_210 = tpu.memref_slice %arg3[%squeeze3A_197, %dma_start3A_209] : memref<1000000x64xf32, #tpu.memory_space<hbm>> -> memref<1x64xf32, #tpu.memory_space<hbm>>
      %dma_start3A_211 = tpu.memref_squeeze %dma_start3A_210 : memref<1x64xf32, #tpu.memory_space<hbm>> -> memref<64xf32, #tpu.memory_space<hbm>>
      tpu.enqueue_dma source(%dma_start3A_211 : memref<64xf32, #tpu.memory_space<hbm>>) target(%dma_start3A_208 : memref<64xf32, #tpu.memory_space<vmem>>) target_semaphore(%arg9 : memref<!tpu.dma_semaphore, #tpu.memory_space<semaphore_mem>>)
      %slice3A_212 = vector.extract_strided_slice %select_n3A {offsets = [10], sizes = [1], strides = [1]} : vector<16xi32> to vector<1xi32>
      %squeeze3A_213 = vector.extract %slice3A_212[0] : i32 from vector<1xi32>
      %add3A_214 = arith.constant 10 : i32
      %add3A_215 = arith.addi %mul3A_54, %add3A_214 : i32
      %dma_start3A_216 = arith.constant 0 : i32
      %dma_start3A_217 = tpu.memref_slice %arg7[%add3A_215, %dma_start3A_216] : memref<512x64xf32, #tpu.memory_space<vmem>> -> memref<1x64xf32, #tpu.memory_space<vmem>>
      %dma_start3A_218 = tpu.memref_squeeze %dma_start3A_217 : memref<1x64xf32, #tpu.memory_space<vmem>> -> memref<64xf32, #tpu.memory_space<vmem>>
      %dma_start3A_219 = arith.constant 0 : i32
      %dma_start3A_220 = tpu.memref_slice %arg3[%squeeze3A_213, %dma_start3A_219] : memref<1000000x64xf32, #tpu.memory_space<hbm>> -> memref<1x64xf32, #tpu.memory_space<hbm>>
      %dma_start3A_221 = tpu.memref_squeeze %dma_start3A_220 : memref<1x64xf32, #tpu.memory_space<hbm>> -> memref<64xf32, #tpu.memory_space<hbm>>
      %dma_start3A_222 = arith.constant 0 : i32
      %dma_start3A_223 = tpu.memref_slice %arg7[%add3A_215, %dma_start3A_222] : memref<512x64xf32, #tpu.memory_space<vmem>> -> memref<1x64xf32, #tpu.memory_space<vmem>>
      %dma_start3A_224 = tpu.memref_squeeze %dma_start3A_223 : memref<1x64xf32, #tpu.memory_space<vmem>> -> memref<64xf32, #tpu.memory_space<vmem>>
      %dma_start3A_225 = arith.constant 0 : i32
      %dma_start3A_226 = tpu.memref_slice %arg3[%squeeze3A_213, %dma_start3A_225] : memref<1000000x64xf32, #tpu.memory_space<hbm>> -> memref<1x64xf32, #tpu.memory_space<hbm>>
      %dma_start3A_227 = tpu.memref_squeeze %dma_start3A_226 : memref<1x64xf32, #tpu.memory_space<hbm>> -> memref<64xf32, #tpu.memory_space<hbm>>
      tpu.enqueue_dma source(%dma_start3A_227 : memref<64xf32, #tpu.memory_space<hbm>>) target(%dma_start3A_224 : memref<64xf32, #tpu.memory_space<vmem>>) target_semaphore(%arg9 : memref<!tpu.dma_semaphore, #tpu.memory_space<semaphore_mem>>)
      %slice3A_228 = vector.extract_strided_slice %select_n3A {offsets = [11], sizes = [1], strides = [1]} : vector<16xi32> to vector<1xi32>
      %squeeze3A_229 = vector.extract %slice3A_228[0] : i32 from vector<1xi32>
      %add3A_230 = arith.constant 11 : i32
      %add3A_231 = arith.addi %mul3A_54, %add3A_230 : i32
      %dma_start3A_232 = arith.constant 0 : i32
      %dma_start3A_233 = tpu.memref_slice %arg7[%add3A_231, %dma_start3A_232] : memref<512x64xf32, #tpu.memory_space<vmem>> -> memref<1x64xf32, #tpu.memory_space<vmem>>
      %dma_start3A_234 = tpu.memref_squeeze %dma_start3A_233 : memref<1x64xf32, #tpu.memory_space<vmem>> -> memref<64xf32, #tpu.memory_space<vmem>>
      %dma_start3A_235 = arith.constant 0 : i32
      %dma_start3A_236 = tpu.memref_slice %arg3[%squeeze3A_229, %dma_start3A_235] : memref<1000000x64xf32, #tpu.memory_space<hbm>> -> memref<1x64xf32, #tpu.memory_space<hbm>>
      %dma_start3A_237 = tpu.memref_squeeze %dma_start3A_236 : memref<1x64xf32, #tpu.memory_space<hbm>> -> memref<64xf32, #tpu.memory_space<hbm>>
      %dma_start3A_238 = arith.constant 0 : i32
      %dma_start3A_239 = tpu.memref_slice %arg7[%add3A_231, %dma_start3A_238] : memref<512x64xf32, #tpu.memory_space<vmem>> -> memref<1x64xf32, #tpu.memory_space<vmem>>
      %dma_start3A_240 = tpu.memref_squeeze %dma_start3A_239 : memref<1x64xf32, #tpu.memory_space<vmem>> -> memref<64xf32, #tpu.memory_space<vmem>>
      %dma_start3A_241 = arith.constant 0 : i32
      %dma_start3A_242 = tpu.memref_slice %arg3[%squeeze3A_229, %dma_start3A_241] : memref<1000000x64xf32, #tpu.memory_space<hbm>> -> memref<1x64xf32, #tpu.memory_space<hbm>>
      %dma_start3A_243 = tpu.memref_squeeze %dma_start3A_242 : memref<1x64xf32, #tpu.memory_space<hbm>> -> memref<64xf32, #tpu.memory_space<hbm>>
      tpu.enqueue_dma source(%dma_start3A_243 : memref<64xf32, #tpu.memory_space<hbm>>) target(%dma_start3A_240 : memref<64xf32, #tpu.memory_space<vmem>>) target_semaphore(%arg9 : memref<!tpu.dma_semaphore, #tpu.memory_space<semaphore_mem>>)
      %slice3A_244 = vector.extract_strided_slice %select_n3A {offsets = [12], sizes = [1], strides = [1]} : vector<16xi32> to vector<1xi32>
      %squeeze3A_245 = vector.extract %slice3A_244[0] : i32 from vector<1xi32>
      %add3A_246 = arith.constant 12 : i32
      %add3A_247 = arith.addi %mul3A_54, %add3A_246 : i32
      %dma_start3A_248 = arith.constant 0 : i32
      %dma_start3A_249 = tpu.memref_slice %arg7[%add3A_247, %dma_start3A_248] : memref<512x64xf32, #tpu.memory_space<vmem>> -> memref<1x64xf32, #tpu.memory_space<vmem>>
      %dma_start3A_250 = tpu.memref_squeeze %dma_start3A_249 : memref<1x64xf32, #tpu.memory_space<vmem>> -> memref<64xf32, #tpu.memory_space<vmem>>
      %dma_start3A_251 = arith.constant 0 : i32
      %dma_start3A_252 = tpu.memref_slice %arg3[%squeeze3A_245, %dma_start3A_251] : memref<1000000x64xf32, #tpu.memory_space<hbm>> -> memref<1x64xf32, #tpu.memory_space<hbm>>
      %dma_start3A_253 = tpu.memref_squeeze %dma_start3A_252 : memref<1x64xf32, #tpu.memory_space<hbm>> -> memref<64xf32, #tpu.memory_space<hbm>>
      %dma_start3A_254 = arith.constant 0 : i32
      %dma_start3A_255 = tpu.memref_slice %arg7[%add3A_247, %dma_start3A_254] : memref<512x64xf32, #tpu.memory_space<vmem>> -> memref<1x64xf32, #tpu.memory_space<vmem>>
      %dma_start3A_256 = tpu.memref_squeeze %dma_start3A_255 : memref<1x64xf32, #tpu.memory_space<vmem>> -> memref<64xf32, #tpu.memory_space<vmem>>
      %dma_start3A_257 = arith.constant 0 : i32
      %dma_start3A_258 = tpu.memref_slice %arg3[%squeeze3A_245, %dma_start3A_257] : memref<1000000x64xf32, #tpu.memory_space<hbm>> -> memref<1x64xf32, #tpu.memory_space<hbm>>
      %dma_start3A_259 = tpu.memref_squeeze %dma_start3A_258 : memref<1x64xf32, #tpu.memory_space<hbm>> -> memref<64xf32, #tpu.memory_space<hbm>>
      tpu.enqueue_dma source(%dma_start3A_259 : memref<64xf32, #tpu.memory_space<hbm>>) target(%dma_start3A_256 : memref<64xf32, #tpu.memory_space<vmem>>) target_semaphore(%arg9 : memref<!tpu.dma_semaphore, #tpu.memory_space<semaphore_mem>>)
      %slice3A_260 = vector.extract_strided_slice %select_n3A {offsets = [13], sizes = [1], strides = [1]} : vector<16xi32> to vector<1xi32>
      %squeeze3A_261 = vector.extract %slice3A_260[0] : i32 from vector<1xi32>
      %add3A_262 = arith.constant 13 : i32
      %add3A_263 = arith.addi %mul3A_54, %add3A_262 : i32
      %dma_start3A_264 = arith.constant 0 : i32
      %dma_start3A_265 = tpu.memref_slice %arg7[%add3A_263, %dma_start3A_264] : memref<512x64xf32, #tpu.memory_space<vmem>> -> memref<1x64xf32, #tpu.memory_space<vmem>>
      %dma_start3A_266 = tpu.memref_squeeze %dma_start3A_265 : memref<1x64xf32, #tpu.memory_space<vmem>> -> memref<64xf32, #tpu.memory_space<vmem>>
      %dma_start3A_267 = arith.constant 0 : i32
      %dma_start3A_268 = tpu.memref_slice %arg3[%squeeze3A_261, %dma_start3A_267] : memref<1000000x64xf32, #tpu.memory_space<hbm>> -> memref<1x64xf32, #tpu.memory_space<hbm>>
      %dma_start3A_269 = tpu.memref_squeeze %dma_start3A_268 : memref<1x64xf32, #tpu.memory_space<hbm>> -> memref<64xf32, #tpu.memory_space<hbm>>
      %dma_start3A_270 = arith.constant 0 : i32
      %dma_start3A_271 = tpu.memref_slice %arg7[%add3A_263, %dma_start3A_270] : memref<512x64xf32, #tpu.memory_space<vmem>> -> memref<1x64xf32, #tpu.memory_space<vmem>>
      %dma_start3A_272 = tpu.memref_squeeze %dma_start3A_271 : memref<1x64xf32, #tpu.memory_space<vmem>> -> memref<64xf32, #tpu.memory_space<vmem>>
      %dma_start3A_273 = arith.constant 0 : i32
      %dma_start3A_274 = tpu.memref_slice %arg3[%squeeze3A_261, %dma_start3A_273] : memref<1000000x64xf32, #tpu.memory_space<hbm>> -> memref<1x64xf32, #tpu.memory_space<hbm>>
      %dma_start3A_275 = tpu.memref_squeeze %dma_start3A_274 : memref<1x64xf32, #tpu.memory_space<hbm>> -> memref<64xf32, #tpu.memory_space<hbm>>
      tpu.enqueue_dma source(%dma_start3A_275 : memref<64xf32, #tpu.memory_space<hbm>>) target(%dma_start3A_272 : memref<64xf32, #tpu.memory_space<vmem>>) target_semaphore(%arg9 : memref<!tpu.dma_semaphore, #tpu.memory_space<semaphore_mem>>)
      %slice3A_276 = vector.extract_strided_slice %select_n3A {offsets = [14], sizes = [1], strides = [1]} : vector<16xi32> to vector<1xi32>
      %squeeze3A_277 = vector.extract %slice3A_276[0] : i32 from vector<1xi32>
      %add3A_278 = arith.constant 14 : i32
      %add3A_279 = arith.addi %mul3A_54, %add3A_278 : i32
      %dma_start3A_280 = arith.constant 0 : i32
      %dma_start3A_281 = tpu.memref_slice %arg7[%add3A_279, %dma_start3A_280] : memref<512x64xf32, #tpu.memory_space<vmem>> -> memref<1x64xf32, #tpu.memory_space<vmem>>
      %dma_start3A_282 = tpu.memref_squeeze %dma_start3A_281 : memref<1x64xf32, #tpu.memory_space<vmem>> -> memref<64xf32, #tpu.memory_space<vmem>>
      %dma_start3A_283 = arith.constant 0 : i32
      %dma_start3A_284 = tpu.memref_slice %arg3[%squeeze3A_277, %dma_start3A_283] : memref<1000000x64xf32, #tpu.memory_space<hbm>> -> memref<1x64xf32, #tpu.memory_space<hbm>>
      %dma_start3A_285 = tpu.memref_squeeze %dma_start3A_284 : memref<1x64xf32, #tpu.memory_space<hbm>> -> memref<64xf32, #tpu.memory_space<hbm>>
      %dma_start3A_286 = arith.constant 0 : i32
      %dma_start3A_287 = tpu.memref_slice %arg7[%add3A_279, %dma_start3A_286] : memref<512x64xf32, #tpu.memory_space<vmem>> -> memref<1x64xf32, #tpu.memory_space<vmem>>
      %dma_start3A_288 = tpu.memref_squeeze %dma_start3A_287 : memref<1x64xf32, #tpu.memory_space<vmem>> -> memref<64xf32, #tpu.memory_space<vmem>>
      %dma_start3A_289 = arith.constant 0 : i32
      %dma_start3A_290 = tpu.memref_slice %arg3[%squeeze3A_277, %dma_start3A_289] : memref<1000000x64xf32, #tpu.memory_space<hbm>> -> memref<1x64xf32, #tpu.memory_space<hbm>>
      %dma_start3A_291 = tpu.memref_squeeze %dma_start3A_290 : memref<1x64xf32, #tpu.memory_space<hbm>> -> memref<64xf32, #tpu.memory_space<hbm>>
      tpu.enqueue_dma source(%dma_start3A_291 : memref<64xf32, #tpu.memory_space<hbm>>) target(%dma_start3A_288 : memref<64xf32, #tpu.memory_space<vmem>>) target_semaphore(%arg9 : memref<!tpu.dma_semaphore, #tpu.memory_space<semaphore_mem>>)
      %slice3A_292 = vector.extract_strided_slice %select_n3A {offsets = [15], sizes = [1], strides = [1]} : vector<16xi32> to vector<1xi32>
      %squeeze3A_293 = vector.extract %slice3A_292[0] : i32 from vector<1xi32>
      %add3A_294 = arith.constant 15 : i32
      %add3A_295 = arith.addi %mul3A_54, %add3A_294 : i32
      %dma_start3A_296 = arith.constant 0 : i32
      %dma_start3A_297 = tpu.memref_slice %arg7[%add3A_295, %dma_start3A_296] : memref<512x64xf32, #tpu.memory_space<vmem>> -> memref<1x64xf32, #tpu.memory_space<vmem>>
      %dma_start3A_298 = tpu.memref_squeeze %dma_start3A_297 : memref<1x64xf32, #tpu.memory_space<vmem>> -> memref<64xf32, #tpu.memory_space<vmem>>
      %dma_start3A_299 = arith.constant 0 : i32
      %dma_start3A_300 = tpu.memref_slice %arg3[%squeeze3A_293, %dma_start3A_299] : memref<1000000x64xf32, #tpu.memory_space<hbm>> -> memref<1x64xf32, #tpu.memory_space<hbm>>
      %dma_start3A_301 = tpu.memref_squeeze %dma_start3A_300 : memref<1x64xf32, #tpu.memory_space<hbm>> -> memref<64xf32, #tpu.memory_space<hbm>>
      %dma_start3A_302 = arith.constant 0 : i32
      %dma_start3A_303 = tpu.memref_slice %arg7[%add3A_295, %dma_start3A_302] : memref<512x64xf32, #tpu.memory_space<vmem>> -> memref<1x64xf32, #tpu.memory_space<vmem>>
      %dma_start3A_304 = tpu.memref_squeeze %dma_start3A_303 : memref<1x64xf32, #tpu.memory_space<vmem>> -> memref<64xf32, #tpu.memory_space<vmem>>
      %dma_start3A_305 = arith.constant 0 : i32
      %dma_start3A_306 = tpu.memref_slice %arg3[%squeeze3A_293, %dma_start3A_305] : memref<1000000x64xf32, #tpu.memory_space<hbm>> -> memref<1x64xf32, #tpu.memory_space<hbm>>
      %dma_start3A_307 = tpu.memref_squeeze %dma_start3A_306 : memref<1x64xf32, #tpu.memory_space<hbm>> -> memref<64xf32, #tpu.memory_space<hbm>>
      tpu.enqueue_dma source(%dma_start3A_307 : memref<64xf32, #tpu.memory_space<hbm>>) target(%dma_start3A_304 : memref<64xf32, #tpu.memory_space<vmem>>) target_semaphore(%arg9 : memref<!tpu.dma_semaphore, #tpu.memory_space<semaphore_mem>>)
    }
    %scan3A_9 = arith.constant 32 : i32
    %dma_wait3A = arith.constant 0 : i32
    %dma_wait3A_10 = tpu.memref_slice %arg5[%mul3A_2, %dma_wait3A] : memref<16384x64xf32, #tpu.memory_space<hbm>> -> memref<512x64xf32, #tpu.memory_space<hbm>>
    %dma_wait3A_11 = arith.constant 0 : i32
    %dma_wait3A_12 = tpu.memref_slice %arg5[%mul3A_2, %dma_wait3A_11] : memref<16384x64xf32, #tpu.memory_space<hbm>> -> memref<512x64xf32, #tpu.memory_space<hbm>>
    tpu.wait_dma2 semaphore(%arg9 : memref<!tpu.dma_semaphore, #tpu.memory_space<semaphore_mem>>) src(%dma_wait3A_12 : memref<512x64xf32, #tpu.memory_space<hbm>>) dst(%arg7 : memref<512x64xf32, #tpu.memory_space<vmem>>)
    %get3A = arith.constant 0 : index
    %get3A_13 = tpu.vector_load %arg8[%get3A] {strides = array<i32>} : memref<16xf32, #tpu.memory_space<vmem>>, vector<16xf32>,
    %get3A_14 = vector.shape_cast %get3A_13 : vector<16xf32> to vector<16xf32>
    %scan3A_15 = arith.constant 0 : i32
    %scan3A_16 = arith.constant 0 : i32
    %scan3A_17 = arith.constant 512 : i32
    %scan3A_18 = arith.addi %scan3A_16, %scan3A_17 : i32
    %scan3A_19 = arith.constant 1 : i32
    scf.for %scan3A_21 = %scan3A_16 to %scan3A_18 step %scan3A_19  : i32 {
      %get3A_22 = arith.index_cast %scan3A_21 : i32 to index
      %get3A_23 = arith.constant 0 : index
      %get3A_24 = tpu.vector_load %arg7[%get3A_22, %get3A_23] {strides = array<i32>} : memref<512x64xf32, #tpu.memory_space<vmem>>, vector<1x16xf32>,
      %get3A_25 = vector.shape_cast %get3A_24 : vector<1x16xf32> to vector<16xf32>
      %mul3A_26 = arith.mulf %get3A_25, %get3A_14 : vector<16xf32>
      %swap3A = arith.index_cast %scan3A_21 : i32 to index
      %swap3A_27 = arith.constant 0 : index
      %swap3A_28 = tpu.vector_load %arg7[%swap3A, %swap3A_27] {strides = array<i32>} : memref<512x64xf32, #tpu.memory_space<vmem>>, vector<1x16xf32>,
      %swap3A_29 = vector.shape_cast %swap3A_28 : vector<1x16xf32> to vector<16xf32>
      %swap3A_30 = vector.shape_cast %mul3A_26 : vector<16xf32> to vector<1x16xf32>
      tpu.vector_store %arg7[%swap3A, %swap3A_27], %swap3A_30 {strides = array<i32>} : memref<512x64xf32, #tpu.memory_space<vmem>>, vector<1x16xf32>,
      %get3A_31 = arith.index_cast %scan3A_21 : i32 to index
      %get3A_32 = arith.constant 16 : index
      %get3A_33 = tpu.vector_load %arg7[%get3A_31, %get3A_32] {strides = array<i32>} : memref<512x64xf32, #tpu.memory_space<vmem>>, vector<1x16xf32>,
      %get3A_34 = vector.shape_cast %get3A_33 : vector<1x16xf32> to vector<16xf32>
      %mul3A_35 = arith.mulf %get3A_34, %get3A_14 : vector<16xf32>
      %swap3A_36 = arith.index_cast %scan3A_21 : i32 to index
      %swap3A_37 = arith.constant 16 : index
      %swap3A_38 = tpu.vector_load %arg7[%swap3A_36, %swap3A_37] {strides = array<i32>} : memref<512x64xf32, #tpu.memory_space<vmem>>, vector<1x16xf32>,
      %swap3A_39 = vector.shape_cast %swap3A_38 : vector<1x16xf32> to vector<16xf32>
      %swap3A_40 = vector.shape_cast %mul3A_35 : vector<16xf32> to vector<1x16xf32>
      tpu.vector_store %arg7[%swap3A_36, %swap3A_37], %swap3A_40 {strides = array<i32>} : memref<512x64xf32, #tpu.memory_space<vmem>>, vector<1x16xf32>,
      %get3A_41 = arith.index_cast %scan3A_21 : i32 to index
      %get3A_42 = arith.constant 32 : index
      %get3A_43 = tpu.vector_load %arg7[%get3A_41, %get3A_42] {strides = array<i32>} : memref<512x64xf32, #tpu.memory_space<vmem>>, vector<1x16xf32>,
      %get3A_44 = vector.shape_cast %get3A_43 : vector<1x16xf32> to vector<16xf32>
      %mul3A_45 = arith.mulf %get3A_44, %get3A_14 : vector<16xf32>
      %swap3A_46 = arith.index_cast %scan3A_21 : i32 to index
      %swap3A_47 = arith.constant 32 : index
      %swap3A_48 = tpu.vector_load %arg7[%swap3A_46, %swap3A_47] {strides = array<i32>} : memref<512x64xf32, #tpu.memory_space<vmem>>, vector<1x16xf32>,
      %swap3A_49 = vector.shape_cast %swap3A_48 : vector<1x16xf32> to vector<16xf32>
      %swap3A_50 = vector.shape_cast %mul3A_45 : vector<16xf32> to vector<1x16xf32>
      tpu.vector_store %arg7[%swap3A_46, %swap3A_47], %swap3A_50 {strides = array<i32>} : memref<512x64xf32, #tpu.memory_space<vmem>>, vector<1x16xf32>,
      %get3A_51 = arith.index_cast %scan3A_21 : i32 to index
      %get3A_52 = arith.constant 48 : index
      %get3A_53 = tpu.vector_load %arg7[%get3A_51, %get3A_52] {strides = array<i32>} : memref<512x64xf32, #tpu.memory_space<vmem>>, vector<1x16xf32>,
      %get3A_54 = vector.shape_cast %get3A_53 : vector<1x16xf32> to vector<16xf32>
      %mul3A_55 = arith.mulf %get3A_54, %get3A_14 : vector<16xf32>
      %swap3A_56 = arith.index_cast %scan3A_21 : i32 to index
      %swap3A_57 = arith.constant 48 : index
      %swap3A_58 = tpu.vector_load %arg7[%swap3A_56, %swap3A_57] {strides = array<i32>} : memref<512x64xf32, #tpu.memory_space<vmem>>, vector<1x16xf32>,
      %swap3A_59 = vector.shape_cast %swap3A_58 : vector<1x16xf32> to vector<16xf32>
      %swap3A_60 = vector.shape_cast %mul3A_55 : vector<16xf32> to vector<1x16xf32>
      tpu.vector_store %arg7[%swap3A_56, %swap3A_57], %swap3A_60 {strides = array<i32>} : memref<512x64xf32, #tpu.memory_space<vmem>>, vector<1x16xf32>,
    }
    %scan3A_20 = arith.constant 512 : i32
    "tpu.region"() ({
      %run_scoped3A = tpu.sem_alloc : memref<!tpu.dma_semaphore, #tpu.memory_space<semaphore_mem>>
      %dma_start3A = arith.constant 0 : i32
      %dma_start3A_21 = tpu.memref_slice %arg5[%mul3A_2, %dma_start3A] : memref<16384x64xf32, #tpu.memory_space<hbm>> -> memref<512x64xf32, #tpu.memory_space<hbm>>
      %dma_start3A_22 = arith.constant 0 : i32
      %dma_start3A_23 = tpu.memref_slice %arg5[%mul3A_2, %dma_start3A_22] : memref<16384x64xf32, #tpu.memory_space<hbm>> -> memref<512x64xf32, #tpu.memory_space<hbm>>
      tpu.enqueue_dma source(%arg7 : memref<512x64xf32, #tpu.memory_space<vmem>>) target(%dma_start3A_23 : memref<512x64xf32, #tpu.memory_space<hbm>>) target_semaphore(%run_scoped3A : memref<!tpu.dma_semaphore, #tpu.memory_space<semaphore_mem>>)
      %dma_wait3A_24 = arith.constant 0 : i32
      %dma_wait3A_25 = tpu.memref_slice %arg5[%mul3A_2, %dma_wait3A_24] : memref<16384x64xf32, #tpu.memory_space<hbm>> -> memref<512x64xf32, #tpu.memory_space<hbm>>
      %dma_wait3A_26 = arith.constant 0 : i32
      %dma_wait3A_27 = tpu.memref_slice %arg5[%mul3A_2, %dma_wait3A_26] : memref<16384x64xf32, #tpu.memory_space<hbm>> -> memref<512x64xf32, #tpu.memory_space<hbm>>
      tpu.wait_dma2 semaphore(%run_scoped3A : memref<!tpu.dma_semaphore, #tpu.memory_space<semaphore_mem>>) src(%arg7 : memref<512x64xf32, #tpu.memory_space<vmem>>) dst(%dma_wait3A_27 : memref<512x64xf32, #tpu.memory_space<hbm>>)
      tpu.yield
    }) : () -> ()
    return
  }
}

</mosaic_0001>

<sc_bundles>
// kernel: kernel.3.cloned.1.call-start
scs
__scs_entry_jumppad:
0x0: {  	(pc) =	sbr.rel $0x88, $3  }
0x1: {  	(tag) =	ssettag $0x0;
	lr =	simm.s32 $0x1  }
0x2: {  	[smem:$0x3F9E] =	sst lr;
	_ =	strace $0xD0000000  }
0x3: {  	_ = 	snop  }
0x4: {  	_ = 	snop  }
0x5: {  	_ = 	snop  }
0x6: {  	_ = 	snop  }
0x7: {  	_ = 	snop  }
__scs_overlays_trampoline_lowered:
0x8: {  	[smem:$0x3FAD] =	sst s0  }
0x9: {  	[smem:$0x3FAE] =	sst s1  }
0xa: {  	[smem:$0x3FAF] =	sst s2  }
0xb: {  	[smem:$0x3FB0] =	sst s3  }
0xc: {  	[smem:$0x3FB1] =	sst s4  }
0xd: {  	[smem:$0x3FB2] =	sst s5  }
0xe: {  	[smem:$0x3FB3] =	sst s6  }
0xf: {  	[smem:$0x3FB4] =	sst s7  }
0x10: {  	[smem:$0x3FB5] =	sst s8  }
0x11: {  	[smem:$0x3FB6] =	sst s9;
	s0 =	simm.s32 @!p0 $0x0  }
0x12: {  	s1 =	sld [smem:$0x3F9C];
	s0 =	simm.s32 @p0 $0x1  }
0x13: {  	[smem:$0x3FB7] =	sst s0;
	s0 =	simm.s32 @!p1 $0x0  }
0x14: {  	s2 =	sld [smem:$0x3F9B];
	s0 =	simm.s32 @p1 $0x1  }
0x15: {  	[smem:$0x3FB8] =	sst s0;
	s0 =	simm.s32 @!p2 $0x0  }
0x16: {  	s3 =	sld [smem:$0x3FDB];
	s0 =	simm.s32 @p2 $0x1  }
0x17: {  	s4 =	simm.s32 $0x1BF5;
	[smem:$0x3FBA] =	sst s0  }
0x18: {  	s0 =	sld [smem:$0x3F9D];
	_ =	swait.ge [sflag:s4], $0x0  }
0x19: {  	s7 =	sld [smem:$0x3F9E]  }
0x1a: {  	s8 =	sadd.s32 $0xFFFFE003, lr  }
0x1b: {  	s9 =	sadd.s32 $0xFFFFFEF7, lr;
	s5 =	simm.s32 $0xFFFFFFFF;
	p2 =	slt.u32 s8, $0xFFFFF086  }
0x1c: {  	p1 =	slt.u32 s9, $0xF7A;
	s5 =	simm.s32 @!p2 $0x0  }
0x1d: {  	s5 =	simm.s32 @p1 $0x1;
	p0 =	seq.s32 s7, s2  }
0x1e: {  	s7 =	smul.u32 @!p0 $0xF7A, s2;
	p2 =	seq.s32 @!p0 s5, $0x0  }
0x1f: {  	s9 =	smul.u32 $0xF7A, s1;
	s8 =	simm.s32 @!p0 $0x1BF5;
	p2 =	por !p2, p0  }
0x20: {  	[sflag:s8] =	ssyncset.s32 @!p0 $0xFFFFF086;
	s6 =	sadd.s32 @!p0 s3, s7;
	s7 =	simm.s32 @!p0 $0x108  }
0x21: {  	s3 =	sadd.s32 s3, s9;
	s6 =	sadd.s32 @!p0 $0x88, s6;
	s7 =	simm.s32 @p2 $0x1082  }
0x22: {  	[simem:s7], [sflag:s8] =	dma.local @!p0 [hbm:s6], $0xF7A  }
0x23: {  	s9 =	sor.u32 $0xD0000000, s2;
	s6 =	simm.s32 $0x108;
	_ =	swait.ge @!p0 [sflag:s8], $0x0  }
0x24: {  	s3 =	sadd.s32 $0x88, s3;
	s6 =	simm.s32 @!p1 $0x1082;
	[sflag:s4] =	ssyncset.s32 $0xFFFFF086  }
0x25: {  	[simem:s6], [sflag:s4] =	dma.local [hbm:s3], $0xF7A  }
0x26: {  	[smem:$0x3F9E] =	sst s1;
	(tag) =	ssettag s2;
	_ =	strace s9  }
0x27: {  	s1 =	sld [smem:$0x3FAE]  }
0x28: {  	s2 =	sld [smem:$0x3FAF]  }
0x29: {  	s4 =	sld [smem:$0x3FB1]  }
0x2a: {  	p0 =	seq.s32 s5, $0x0;
	s5 =	sld [smem:$0x3FB2]  }
0x2b: {  	s6 =	sld [smem:$0x3FB3]  }
0x2c: {  	s7 =	sld [smem:$0x3FB4]  }
0x2d: {  	s3 =	simm.s32 $0x108;
	s8 =	sld [smem:$0x3FB5]  }
0x2e: {  	s3 =	simm.s32 @!p0 $0x1082;
	s9 =	sld [smem:$0x3FB6]  }
0x2f: {  	lr =	sadd.s32 s0, s3;
	s0 =	sld [smem:$0x3FAD]  }
0x30: {  	s3 =	sld [smem:$0x3FB0]  }
0x31: {  	[smem:$0x3FB9] =	sst s10  }
0x32: {  	s10 =	sld [smem:$0x3FB7];
	_ =	sdelay $0x3  }
0x33: {  	p0 =	seq.s32 s10, $0x1;
	s10 =	sld [smem:$0x3FB9];
	_ =	sdelay $0x3  }
0x34: {  	[smem:$0x3FB9] =	sst s10  }
0x35: {  	s10 =	sld [smem:$0x3FB8];
	_ =	sdelay $0x3  }
0x36: {  	p1 =	seq.s32 s10, $0x1;
	s10 =	sld [smem:$0x3FB9];
	_ =	sdelay $0x3  }
0x37: {  	[smem:$0x3FB9] =	sst s10  }
0x38: {  	s10 =	sld [smem:$0x3FBA]  }
0x39: {  	_ = 	snop;
	(pc) =	sbr.ind lr, $3  }
0x3a: {  	_ = 	snop  }
0x3b: {  	_ = 	snop  }
0x3c: {  	p2 =	seq.s32 s10, $0x1;
	s10 =	sld [smem:$0x3FB9]  }
0x3d: {  	_ =	shalt  }
0x3e: {  	_ =	shalt  }
0x3f: {  	_ =	shalt  }
0x40: {  	_ =	shalt  }
0x41: {  	_ =	shalt  }
0x42: {  	_ =	shalt  }
0x43: {  	_ =	shalt  }
0x44: {  	_ =	shalt  }
0x45: {  	_ =	shalt  }
0x46: {  	_ =	shalt  }
0x47: {  	_ =	shalt  }
0x48: {  	_ =	shalt  }
0x49: {  	_ =	shalt  }
0x4a: {  	_ =	shalt  }
0x4b: {  	_ =	shalt  }
0x4c: {  	_ =	shalt  }
0x4d: {  	_ =	shalt  }
0x4e: {  	_ =	shalt  }
0x4f: {  	_ =	shalt  }
0x50: {  	_ =	shalt  }
0x51: {  	_ =	shalt  }
0x52: {  	_ =	shalt  }
0x53: {  	_ =	shalt  }
0x54: {  	_ =	shalt  }
0x55: {  	_ =	shalt  }
0x56: {  	_ =	shalt  }
0x57: {  	_ =	shalt  }
0x58: {  	_ =	shalt  }
0x59: {  	_ =	shalt  }
0x5a: {  	_ =	shalt  }
0x5b: {  	_ =	shalt  }
0x5c: {  	_ =	shalt  }
0x5d: {  	_ =	shalt  }
0x5e: {  	_ =	shalt  }
0x5f: {  	_ =	shalt  }
0x60: {  	_ =	shalt  }
0x61: {  	_ =	shalt  }
0x62: {  	_ =	shalt  }
0x63: {  	_ =	shalt  }
0x64: {  	_ =	shalt  }
0x65: {  	_ =	shalt  }
0x66: {  	_ =	shalt  }
0x67: {  	_ =	shalt  }
0x68: {  	_ =	shalt  }
0x69: {  	_ =	shalt  }
0x6a: {  	_ =	shalt  }
0x6b: {  	_ =	shalt  }
0x6c: {  	_ =	shalt  }
0x6d: {  	_ =	shalt  }
0x6e: {  	_ =	shalt  }
0x6f: {  	_ =	shalt  }
0x70: {  	_ =	shalt  }
0x71: {  	_ =	shalt  }
0x72: {  	_ =	shalt  }
0x73: {  	_ =	shalt  }
0x74: {  	_ =	shalt  }
0x75: {  	_ =	shalt  }
0x76: {  	_ =	shalt  }
0x77: {  	_ =	shalt  }
0x78: {  	_ =	shalt  }
0x79: {  	_ =	shalt  }
0x7a: {  	_ =	shalt  }
0x7b: {  	_ =	shalt  }
0x7c: {  	_ =	shalt  }
0x7d: {  	_ =	shalt  }
0x7e: {  	_ =	shalt  }
0x7f: {  	_ =	shalt  }
0x80: {  	_ =	shalt  }
0x81: {  	_ =	shalt  }
0x82: {  	_ =	shalt  }
0x83: {  	_ =	shalt  }
0x84: {  	_ =	shalt  }
0x85: {  	_ =	shalt  }
0x86: {  	_ =	shalt  }
0x87: {  	_ =	shalt  }
.Lfunc_end0:
.L_simem_size_0:
called_computation_lowered:
.L_overlay_start_0:
0x88: {  	s2 =	sld [smem:$0x3FD9]  }
0x89: {  	s3 =	sld [smem:$0x3FFE];
	_ =	sdelay $0x1  }
0x8a: {  	s1 =	srdreg.scid  }
0x8b: {  	s0 =	sand.u32 $0x1, s1  }
0x8c: {  	s17 =	sshll.u32 s0, $0xA;
	s2 =	sadd.s32 s3, s2  }
0x8d: {  	s2 =	sadd.s32 s2, s17  }
0x8e: {  	[smem:$0x3FC5] =	sst s2  }
0x8f: {  	_ = 	snop  }
0x90: {  	s2 =	sld [smem:$0x3FD0];
	(tm) =	ssettm $0x1  }
0x91: {  	s18 =	sld [smem:$0x3FFB];
	_ =	sdelay $0x3  }
0x92: {  	_ =	strace s18  }
0x93: {  	s3 =	sld [smem:$0x3FFC];
	_ =	sdelay $0x3  }
0x94: {  	_ =	strace s3  }
0x95: {  	s3 =	sld [smem:$0x3FFD];
	_ =	sdelay $0x3  }
0x96: {  	_ =	strace s3  }
0x97: {  	_ =	strace $0x8FFFFFFF  }
0x98: {  	s19 =	sld [smem:$0x3FDB];
	_ =	sdelay $0x1  }
0x99: {  	s4 =	simm.s32 $_scs_section_size  }
0x9a: {  	s5 =	simm.s32 $_size__tile_overlayer_lowered;
	s6 =	simm.s32 $_tile_overlayer_lowered  }
0x9b: {  	s22 =	simm.s32 $0x1BFF;
	s21 =	sshll.u32 s6, $0x1;
	s3 =	sadd.s32 s4, s19  }
0x9c: {  	s7 =	simm.s32 $0x0;
	s20 =	sshll.u32 s5, $0x1;
	s5 =	sadd.s32 s21, s3  }
0x9d: {  	[timem:s7], [sflag:s22] =	dma.local [hbm:s5], s20  }
0x9e: {  	_ =	swait.ge [sflag:s22], s20  }
0x9f: {  	s4 =	ssub.s32 $0x0, s20;
	[sflag:s22] =	ssyncset.done $0x0  }
0xa0: {  	[sflag:s22] =	ssyncadd.s32 s4;
	_ =	sdelay $0x1  }
0xa1: {  	s23 =	simm.s32 $0x1B8B  }
0xa2: {  	_ =	swait.ge [sflag:s23], $0x1  }
0xa3: {  	[sflag:s23] =	ssyncset.done $0x0  }
0xa4: {  	s25 =	simm.s32 $0x1B8E;
	s24 =	sld [smem:$0x3FFE];
	[sflag:s23] =	ssyncadd.s32 $0xFFFFFFFF  }
0xa5: {  	s26 =	simm.s32 $execute0_lowered;
	[smem:$0x3FD2] =	sst s25  }
0xa6: {  	s5 =	sshll.u32 s26, $0x1;
	_ =	strace $0x80000046;
	[dreg:$0x1] =	wrdreg $0xFFFFFFFF  }
0xa7: {  	s28 =	simm.s32 $_size_execute0_lowered;
	s3 =	sadd.s32 s3, s5;
	[dreg:$0x0] =	wrdreg $0x0  }
0xa8: {  	s5 =	sshll.u32 s28, $0x1;
	[dreg:$0x2] =	wrdreg s3  }
0xa9: {  	[dreg:$0x3] =	wrdreg s5  }
0xaa: {  	[dreg:$0x4] =	wrdreg $0xC0  }
0xab: {  	_ =	task [dreg:s7], $0x5FFFF  }
0xac: {  	[dreg:$0x1] =	wrdreg $0xFFFFFFFF  }
0xad: {  	[dreg:$0x0] =	wrdreg $0x60  }
0xae: {  	[dreg:$0x2] =	wrdreg s2  }
0xaf: {  	[dreg:$0x3] =	wrdreg s24  }
0xb0: {  	[dreg:$0x4] =	wrdreg $0x9  }
0xb1: {  	_ =	task.clear_ibuf [dreg:s7], $0x5FFFF;
	_ =	strace $0x90000046  }
0xb2: {  	s29 =	simm.s32 $0x9;
	_ =	strace $0x80000048  }
0xb3: {  	_ =	swait.ge [sflag:s29], $0x1  }
0xb4: {  	[sflag:s29] =	ssyncadd.s32 $0xFFFFFFFF  }
0xb5: {  	_ =	strace $0x90000048  }
0xb6: {  	_ =	sfence  }
0xb7: {  	s30 =	sld [smem:$0x0];
	_ =	sdelay $0x2  }
0xb8: {  	s31 =	sshll.u32 s1, $0xD;
	s1 =	sshrl.u32 s1, $0x2  }
0xb9: {  	s3 =	sand.u32 $0x4000, s31;
	s1 =	sadd.s32 s1, s30  }
0xba: {  	s0 =	sor.u32 s3, s0;
	s1 =	sshll.u32 s1, $0x11  }
0xbb: {  	s0 =	sor.u32 s1, s0  }
0xbc: {  	s0 =	sadd.s32 $0x8F2B, s0  }
0xbd: {  	[sflag:s0] =	ssyncadd.remote.s32 $0x1  }
0xbe: {  	_ =	sfence.sel $0xFFFF  }
0xbf: {  	[dreg:$0x0] =	wrdreg $0xFFFFFFFF;
	(pc) =	sbr.abs _section_cstart, $3  }
0xc0: {  	[dreg:$0x1] =	wrdreg $0xFFFFFFFF  }
0xc1: {  	_ =	task.clear_ibuf [dreg:s7], $0x2FFFF;
	_ =	strace $0x9FFFFFFF  }
0xc2: {  	(tm) =	ssettm $0x7FFFFFFF  }
0xc3: {  	_ =	shalt  }
tec
execute0_lowered:
.L_overlay_start_1:
0x0: {  	(tag) =	ssettag $0x1  }
0x1: {  	s6 =	rddreg [dreg:$0x0]  }
0x2: {  	s5 =	rddreg [dreg:$0x1];
	s2 =	simm.s32 $0x0;
	s3 =	srdreg.scid  }
0x3: {  	s0 =	stileid.u32;
	[smem:$0x7FF] =	sst s2;
	s8 =	sand.u32 $0x1, s3  }
0x4: {  	s4 =	sshll.u32 s0, $0x1;
	s3 =	sadd.s32 $0x400, s5;
	s1 =	sadd.s32 $0xF42800, s5  }
0x5: {  	s28 =	sshll.u32 s0, $0xA;
	_ =	strace $0x80000047;
	s10 =	sor.u32 s8, s4  }
0x6: {  	[dreg:$0x3] =	wrdreg s1;
	s23 =	ssub.s32 $0x2, s8;
	s29 =	sshll.u32 s8, $0x9  }
0x7: {  	v0 =	vimm.s32 $0xECA86420;
	vm0 =	vcmask $0xB08;
	vm1 =	vcmask $0x1310;
	s7 =	sshll.u32 s10, $0xD;
	s9 =	sshll.u32 s10, $0x9;
	s11 =	sshrl.u32 s23, $0x1  }
0x8: {  	vm2 =	vcmask $0x1B18;
	vm3 =	vcmask $0x300;
	vm4 =	vcmask $0x2320;
	s12 =	sshll.u32 s10, $0x6;
	s31 =	sor.u32 s29, s28;
	s7 =	sadd.s32 s7, s5  }
0x9: {  	vm5 =	vcmask $0x2B28;
	vm6 =	vcmask $0x3330;
	vm7 =	vcmask $0x3B38;
	s9 =	sadd.s32 $0xFFFFFFF8, s9;
	s24 =	sadd.s32 s6, s12;
	[dreg:$0x8] =	wrdreg s31  }
0xa: {  	v1 =	vlaneseq.u32;
	vm8 =	vmmov $0xff;
	vm9 =	vcmask $0x704;
	s11 =	ssub.s32 s23, s11;
	[dreg:$0x4] =	wrdreg s24;
	s26 =	sadd.s32 $0xF42A00, s7  }
0xb: {  	vm10 =	vcmask $0xF0C;
	vm11 =	vcmask $0x1714;
	v0 =	vunpack.c.l.s4.s8 v0;
	s9 =	sshrl.u32 s9, $0x3;
	s30 =	smax.u32 s11, $0x1;
	[dreg:$0x6] =	wrdreg s26  }
0xc: {  	vm12 =	vcmask $0x1F1C;
	vm13 =	vcmask $0x2724;
	vm14 =	vcmask $0x2F2C;
	s4 =	simm.s32 $0x2;
	s25 =	sadd.s32 s6, s9;
	[dreg:$0x7] =	wrdreg s30  }
0xd: {  	vm15 =	vcmask $0x3734;
	v2 =	vmul.u32 $0x2, v1;
	s1 =	simm.s32 $0x0;
	v0 =	vunpack.c.0.s8.s32 v0;
	p0 =	seq.s32 s10, $0x0;
	[dreg:$0x5] =	wrdreg s25  }
.LBB2_1:
0xe: {  	[dreg:$0x9] =	wrdreg s1  }
0xf: {  	s0 =	rddreg [dreg:$0x3];
	s29 =	simm.s32 $0x10280  }
0x10: {  	[tilespmem:s29], [sflag:$0x2] =	stream.linear.gather [hbm4b:s0+s2], $0x80, $0x38;
	[tilespmem:$0x10300] =	vst v63  }
0x11: {  	_ =	swait.ge [sflag:s4], $0x80  }
0x12: {  	[sflag:s4] =	ssyncset.done $0x0  }
0x13: {  	s31 =	simm.s32 $0x8;
	s30 =	rddreg [dreg:$0x4];
	[sflag:s4] =	ssyncadd.s32 $0xFFFFFF80  }
0x14: {  	[tilespmem:s31], [sflag:$0x2] =	stream.linear.gather [hbm4b:s30+s2], $0x200, $0x38;
	[tilespmem:$0x10300] =	vst v63  }
0x15: {  	_ =	swait.ge [sflag:s4], $0x200  }
0x16: {  	[sflag:s4] =	ssyncset.done $0x0  }
0x17: {  	s16 =	simm.s32 @!p0 $0x0;
	s0 =	rddreg [dreg:$0x5];
	[sflag:s4] =	ssyncadd.s32 $0xFFFFFE00  }
0x18: {  	[tilespmem:s16], [sflag:$0x2] =	stream.linear.gather @!p0 [hbm4b:s0+s16], $0x8, $0x38;
	[tilespmem:$0x10300] =	vst v63  }
0x19: {  	s16 =	simm.s32 @!p0 $0x2  }
0x1a: {  	_ =	swait.ge @!p0 [sflag:s16], $0x8  }
0x1b: {  	s18 =	simm.s32 $0x0;
	[sflag:s16] =	ssyncset.done @!p0 $0x0  }
0x1c: {  	s17 =	rddreg [dreg:$0x8];
	[sflag:s16] =	ssyncadd.s32 @!p0 $0xFFFFFFF8;
	s16 =	simm.s32 $0x8  }
.LBB2_2:
0x1d: {  	v3 =	vld [tilespmem:s16+$0x0]  }
0x1e: {  	v4 =	vld [tilespmem:s16+$0xFFFFFFFF];
	_ =	sdelay $0x4  }
0x1f: {  	v3 =	vmul.u32 $0x8DD9, v3;
	v4 =	vmul.u32 $0x6A37, v4;
	_ =	sdelay $0x1  }
0x20: {  	v3 =	vxor.u32 v3, v4  }
0x21: {  	(v2sf) =	vpush v3, $0xD;
	_ =	sdelay $0x1  }
0x22: {  	(v2sf) =	vpush v3, $0xC;
	_ =	sdelay $0x1  }
0x23: {  	(v2sf) =	vpush v3, $0xE;
	_ =	sdelay $0x1  }
0x24: {  	(v2sf) =	vpush v3, $0xF;
	_ =	sdelay $0x1  }
0x25: {  	(v2sf) =	vpush v3, $0x9;
	_ =	sdelay $0x1  }
0x26: {  	(v2sf) =	vpush v3, $0x8;
	_ =	sdelay $0x1  }
0x27: {  	(v2sf) =	vpush v3, $0xA;
	_ =	sdelay $0x1  }
0x28: {  	(v2sf) =	vpush v3, $0xB  }
0x29: {  	s19 =	spop (v2sf)  }
0x2a: {  	(v2sf) =	vpush v3, $0x0;
	s20 =	smulhi.u32 $0x431BE2E9, s19;
	s19 =	sshra.s32 s19, $0x1F  }
0x2b: {  	s21 =	spop (v2sf);
	s19 =	smul.u32 $0x431BE2E9, s19  }
0x2c: {  	(v2sf) =	vpush v3, $0x1;
	s22 =	smulhi.u32 $0x431BE2E9, s21;
	s21 =	sshra.s32 s21, $0x1F  }
0x2d: {  	(v2sf) =	vpush v3, $0x2;
	s23 =	spop (v2sf);
	s21 =	smul.u32 $0x431BE2E9, s21  }
0x2e: {  	(v2sf) =	vpush v3, $0x3;
	s24 =	smulhi.u32 $0x431BE2E9, s23;
	s23 =	sshra.s32 s23, $0x1F  }
0x2f: {  	(v2sf) =	vpush v3, $0x4;
	s25 =	spop (v2sf);
	s23 =	smul.u32 $0x431BE2E9, s23  }
0x30: {  	(v2sf) =	vpush v3, $0x5;
	s26 =	smulhi.u32 $0x431BE2E9, s25;
	s25 =	sshra.s32 s25, $0x1F  }
0x31: {  	(v2sf) =	vpush v3, $0x6;
	s28 =	spop (v2sf);
	s25 =	smul.u32 $0x431BE2E9, s25  }
0x32: {  	(v2sf) =	vpush v3, $0x7;
	s30 =	smulhi.u32 $0x431BE2E9, s28;
	s28 =	sshra.s32 s28, $0x1F  }
0x33: {  	s29 =	spop (v2sf);
	s28 =	smul.u32 $0x431BE2E9, s28  }
0x34: {  	s20 =	sadd.s32 s19, s20;
	s10 =	smulhi.u32 $0x431BE2E9, s29;
	s29 =	sshra.s32 s29, $0x1F  }
0x35: {  	s4 =	sshrl.u32 s20, $0x1F;
	s31 =	spop (v2sf);
	s29 =	smul.u32 $0x431BE2E9, s29  }
0x36: {  	s22 =	sadd.s32 s21, s22;
	s14 =	smulhi.u32 $0x431BE2E9, s31;
	s13 =	sshra.s32 s31, $0x1F  }
0x37: {  	s7 =	sshrl.u32 s22, $0x1F;
	s0 =	spop (v2sf);
	s5 =	smul.u32 $0x431BE2E9, s13  }
0x38: {  	s21 =	sadd.s32 s23, s24;
	s6 =	smulhi.u32 $0x431BE2E9, s0;
	s0 =	sshra.s32 s0, $0x1F  }
0x39: {  	s19 =	sadd.s32 s25, s26;
	s1 =	spop (v2sf);
	s0 =	smul.u32 $0x431BE2E9, s0  }
0x3a: {  	s8 =	sshrl.u32 s21, $0x1F;
	s26 =	smulhi.u32 $0x431BE2E9, s1;
	s1 =	sshra.s32 s1, $0x1F  }
0x3b: {  	s23 =	sadd.s32 s28, s30;
	s12 =	spop (v2sf);
	s1 =	smul.u32 $0x431BE2E9, s1  }
0x3c: {  	s15 =	spop (v2sf);
	s30 =	smulhi.u32 $0x431BE2E9, s12;
	s12 =	sshra.s32 s12, $0x1F  }
0x3d: {  	s28 =	sadd.s32 s29, s10;
	s10 =	smul.u32 $0x431BE2E9, s12;
	s11 =	spop (v2sf)  }
0x3e: {  	s29 =	smulhi.u32 $0x431BE2E9, s15;
	s13 =	sshra.s32 s15, $0x1F;
	s31 =	spop (v2sf)  }
0x3f: {  	s24 =	sadd.s32 s5, s14;
	s5 =	smul.u32 $0x431BE2E9, s13;
	s14 =	spop (v2sf)  }
0x40: {  	s13 =	smulhi.u32 $0x431BE2E9, s11;
	s12 =	sshra.s32 s11, $0x1F;
	s11 =	spop (v2sf)  }
0x41: {  	s25 =	sadd.s32 s0, s6;
	s0 =	smul.u32 $0x431BE2E9, s12;
	s15 =	spop (v2sf)  }
0x42: {  	s9 =	sshrl.u32 s19, $0x1F;
	s12 =	smulhi.u32 $0x431BE2E9, s15;
	s6 =	sshra.s32 s15, $0x1F  }
0x43: {  	s1 =	sadd.s32 s1, s26;
	s10 =	sadd.s32 s10, s30;
	s6 =	smul.u32 $0x431BE2E9, s6  }
0x44: {  	s5 =	sadd.s32 s5, s29;
	s29 =	smulhi.u32 $0x431BE2E9, s31;
	s31 =	sshra.s32 s31, $0x1F  }
0x45: {  	v5 =	vmov s7;
	s30 =	sshrl.u32 s28, $0x1F;
	s31 =	smul.u32 $0x431BE2E9, s31;
	s26 =	sadd.s32 s6, s12  }
0x46: {  	v5 =	vsel vm0, s4, v5;
	s4 =	smulhi.u32 $0x431BE2E9, s14;
	s7 =	sshra.s32 s14, $0x1F;
	s12 =	sshra.s32 s26, $0x1F  }
0x47: {  	s0 =	sadd.s32 s0, s13;
	s7 =	smul.u32 $0x431BE2E9, s7;
	v61 =	vmov s12;
	s12 =	sshra.s32 s1, $0x12  }
0x48: {  	v5 =	vsel vm1, s8, v5;
	s13 =	sadd.s32 s31, s29;
	s31 =	sshrl.u32 s1, $0x1F;
	s1 =	sshra.s32 s1, $0x1F;
	v4 =	vsel vm3, s12, v61  }
0x49: {  	v5 =	vsel vm2, s9, v5;
	s14 =	sshra.s32 s10, $0x12;
	s9 =	smulhi.u32 $0x431BE2E9, s11;
	s11 =	sshra.s32 s11, $0x1F;
	v6 =	vmov s31;
	v4 =	vsel vm9, s1, v4  }
0x4a: {  	s15 =	sshrl.u32 s23, $0x1F;
	v6 =	vnsel vm3, $0x0, v6;
	s12 =	sshrl.u32 s10, $0x1F;
	s10 =	sshra.s32 s10, $0x1F;
	v4 =	vsel vm0, s14, v4  }
0x4b: {  	v7 =	vmov s30;
	s30 =	smul.u32 $0x431BE2E9, s11;
	s31 =	sshrl.u32 s5, $0x1F;
	v6 =	vsel vm0, s12, v6;
	s12 =	sshra.s32 s5, $0x12;
	v4 =	vsel vm10, s10, v4  }
0x4c: {  	v63 =	vor.u32 s17, v1;
	v7 =	vsel vm0, s15, v7;
	s15 =	sshra.s32 s28, $0x12;
	s6 =	sshrl.u32 s24, $0x1F;
	s5 =	sshra.s32 s5, $0x1F;
	v4 =	vsel vm1, s12, v4  }
0x4d: {  	s29 =	sshrl.u32 s25, $0x1F;
	v8 =	vmov s15;
	v7 =	vsel vm1, s6, v7;
	s1 =	sadd.s32 s7, s4;
	s7 =	sshra.s32 s0, $0x12;
	v4 =	vsel vm11, s5, v4  }
0x4e: {  	s6 =	sadd.s32 s30, s9;
	v7 =	vsel vm2, s29, v7;
	v6 =	vsel vm1, s31, v6;
	s14 =	sshrl.u32 s0, $0x1F;
	s0 =	sshra.s32 s0, $0x1F;
	v4 =	vsel vm2, s7, v4  }
0x4f: {  	s29 =	sshra.s32 s23, $0x12;
	v5 =	vcombine.low v7, v5;
	s31 =	sshrl.u32 s13, $0x1F;
	v6 =	vsel vm2, s14, v6;
	s12 =	sshra.s32 s13, $0x12;
	v4 =	vsel vm12, s0, v4  }
0x50: {  	v8 =	vsel vm0, s29, v8;
	s10 =	sshrl.u32 s1, $0x1F;
	s14 =	sshra.s32 s22, $0x12;
	s22 =	sshra.s32 s13, $0x1F;
	v6 =	vsel vm4, s31, v6;
	v4 =	vsel vm4, s12, v4  }
0x51: {  	s28 =	sshra.s32 s20, $0x12;
	s11 =	sshrl.u32 s6, $0x1F;
	s30 =	sshra.s32 s1, $0x12;
	v62 =	vmov s14;
	v6 =	vsel vm5, s10, v6;
	v4 =	vsel vm13, s22, v4  }
0x52: {  	s8 =	sshra.s32 s1, $0x1F;
	s31 =	sshra.s32 s21, $0x12;
	v7 =	vsel vm0, s28, v62;
	v6 =	vsel vm6, s11, v6;
	s7 =	sshra.s32 s24, $0x12;
	v4 =	vsel vm5, s30, v4  }
0x53: {  	s9 =	sshra.s32 s19, $0x12;
	s10 =	sshra.s32 s25, $0x12;
	v7 =	vsel vm1, s31, v7;
	s11 =	sshra.s32 s6, $0x12;
	v8 =	vsel vm1, s7, v8;
	v4 =	vsel vm14, s8, v4  }
0x54: {  	s13 =	sshra.s32 s6, $0x1F;
	v7 =	vsel vm2, s9, v7;
	s12 =	sshrl.u32 s26, $0x1F;
	v8 =	vsel vm2, s10, v8;
	v4 =	vsel vm6, s11, v4  }
0x55: {  	s14 =	sshra.s32 s26, $0x12;
	v7 =	vcombine.low v8, v7;
	v6 =	vsel vm7, s12, v6;
	v4 =	vsel vm15, s13, v4  }
0x56: {  	v5 =	vperm.xlane v5, v0;
	v6 =	vperm.xlane v6, v2;
	v4 =	vsel vm7, s14, v4  }
0x57: {  	vm2 =	vmmov vm1;
	v7 =	vperm.xlane v7, v0;
	v4 =	vperm.xlane v4, v2  }
0x58: {  	vm1 =	vmmov vm0;
	vm0 =	vmmov vm8;
	v5 =	vsel vm8, v6, v5  }
0x59: {  	v4 =	vsel vm8, v4, v7;
	vm8 =	vmmov vm7;
	vm7 =	vmmov vm6  }
0x5a: {  	vm6 =	vmmov vm5;
	vm5 =	vmmov vm4;
	vm4 =	vmmov vm3  }
0x5b: {  	vm3 =	vmmov vm15;
	vm15 =	vmmov vm14;
	v4 =	vadd.s32 v5, v4  }
0x5c: {  	vm14 =	vmmov vm13;
	vm13 =	vmmov vm12;
	v4 =	vmul.u32 $0xF423F, v4  }
0x5d: {  	vm12 =	vmmov vm11;
	vm11 =	vmmov vm10;
	v5 =	vand.u32 $0xFFF, v63  }
0x5e: {  	vm10 =	vmmov vm9;
	vm9 =	veq.s32 v5, $0x0;
	v3 =	vsub.s32 v3, v4  }
0x5f: {  	v3 =	vsel vm9, $0xF423F, v3  }
0x60: {  	v3 =	vshll.u32 v3, $0x4  }
0x61: {  	(v2sf) =	vpush v3, $0x0;
	_ =	sdelay $0x2  }
0x62: {  	(v2sf) =	vpush v3, $0x1  }
0x63: {  	(v2sf) =	vpush v3, $0x2;
	_ =	sdelay $0x2  }
0x64: {  	(v2sf) =	vpush v3, $0x3;
	_ =	sdelay $0x1  }
0x65: {  	(v2sf) =	vpush v3, $0x4;
	_ =	sdelay $0x5  }
0x66: {  	s15 =	spop (v2sf);
	(v2sf) =	vpush v3, $0x5;
	_ =	sdelay $0x2  }
0x67: {  	s19 =	sshra.s32 s18, $0x2;
	s0 =	sand.u32 $0x1FFFFFF0, s15;
	s21 =	spop (v2sf)  }
0x68: {  	s20 =	sadd.s32 $0x280, s19;
	s0 =	sadd.s32 s3, s0;
	s23 =	spop (v2sf)  }
0x69: {  	(v2sf) =	vpush v3, $0x6;
	[tilespmem:s20], [sflag:$0x1] =	stream.linear.gather [hbm4b:s0+s2], $0x80, $0x38;
	[tilespmem:$0x10300] =	vst v63  }
0x6a: {  	s0 =	sand.u32 $0x1FFFFFF0, s21  }
0x6b: {  	s22 =	sadd.s32 $0x300, s19;
	s25 =	spop (v2sf);
	(v2sf) =	vpush v3, $0x7;
	s0 =	sadd.s32 s3, s0  }
0x6c: {  	[tilespmem:s22], [sflag:$0x1] =	stream.linear.gather [hbm4b:s0+s2], $0x80, $0x38;
	[tilespmem:$0x10300] =	vst v63  }
0x6d: {  	s28 =	spop (v2sf);
	(v2sf) =	vpush v3, $0x8;
	s0 =	sand.u32 $0x1FFFFFF0, s23  }
0x6e: {  	s24 =	sadd.s32 $0x380, s19;
	s0 =	sadd.s32 s3, s0  }
0x6f: {  	[tilespmem:s24], [sflag:$0x1] =	stream.linear.gather [hbm4b:s0+s2], $0x80, $0x38;
	[tilespmem:$0x10300] =	vst v63  }
0x70: {  	s0 =	sand.u32 $0x1FFFFFF0, s25  }
0x71: {  	s26 =	sadd.s32 $0x400, s19;
	s0 =	sadd.s32 s3, s0  }
0x72: {  	[tilespmem:s26], [sflag:$0x1] =	stream.linear.gather [hbm4b:s0+s2], $0x80, $0x38;
	[tilespmem:$0x10300] =	vst v63  }
0x73: {  	s30 =	spop (v2sf);
	(v2sf) =	vpush v3, $0x9  }
0x74: {  	s0 =	sand.u32 $0x1FFFFFF0, s28  }
0x75: {  	s29 =	sadd.s32 $0x480, s19;
	s0 =	sadd.s32 s3, s0;
	(v2sf) =	vpush v3, $0xA  }
0x76: {  	[tilespmem:s29], [sflag:$0x1] =	stream.linear.gather [hbm4b:s0+s2], $0x80, $0x38;
	[tilespmem:$0x10300] =	vst v63  }
0x77: {  	s0 =	sand.u32 $0x1FFFFFF0, s30  }
0x78: {  	s31 =	sadd.s32 $0x500, s19;
	s0 =	sadd.s32 s3, s0;
	s1 =	spop (v2sf)  }
0x79: {  	(v2sf) =	vpush v3, $0xB;
	[tilespmem:s31], [sflag:$0x1] =	stream.linear.gather [hbm4b:s0+s2], $0x80, $0x38;
	[tilespmem:$0x10300] =	vst v63  }
0x7a: {  	s5 =	spop (v2sf);
	(v2sf) =	vpush v3, $0xC  }
0x7b: {  	s0 =	sand.u32 $0x1FFFFFF0, s1  }
0x7c: {  	s4 =	sadd.s32 $0x580, s19;
	s0 =	sadd.s32 s3, s0;
	s7 =	spop (v2sf);
	(v2sf) =	vpush v3, $0xD  }
0x7d: {  	[tilespmem:s4], [sflag:$0x1] =	stream.linear.gather [hbm4b:s0+s2], $0x80, $0x38;
	[tilespmem:$0x10300] =	vst v63  }
0x7e: {  	s0 =	sand.u32 $0x1FFFFFF0, s5  }
0x7f: {  	s6 =	sadd.s32 $0x600, s19;
	s0 =	sadd.s32 s3, s0  }
0x80: {  	[tilespmem:s6], [sflag:$0x1] =	stream.linear.gather [hbm4b:s0+s2], $0x80, $0x38;
	[tilespmem:$0x10300] =	vst v63  }
0x81: {  	s0 =	sand.u32 $0x1FFFFFF0, s7  }
0x82: {  	s8 =	sadd.s32 $0x680, s19;
	s0 =	sadd.s32 s3, s0;
	s9 =	spop (v2sf);
	(v2sf) =	vpush v3, $0xE  }
0x83: {  	[tilespmem:s8], [sflag:$0x1] =	stream.linear.gather [hbm4b:s0+s2], $0x80, $0x38;
	[tilespmem:$0x10300] =	vst v63  }
0x84: {  	s11 =	spop (v2sf);
	(v2sf) =	vpush v3, $0xF  }
0x85: {  	s0 =	sand.u32 $0x1FFFFFF0, s9  }
0x86: {  	s10 =	sadd.s32 $0x700, s19;
	s13 =	sadd.s32 $0x780, s19;
	s0 =	sadd.s32 s3, s0  }
0x87: {  	[tilespmem:s10], [sflag:$0x1] =	stream.linear.gather [hbm4b:s0+s2], $0x80, $0x38;
	[tilespmem:$0x10300] =	vst v63  }
0x88: {  	s20 =	sadd.s32 $0x800, s19;
	s12 =	spop (v2sf);
	s0 =	sand.u32 $0x1FFFFFF0, s11  }
0x89: {  	s14 =	sand.u32 $0x1FFFFFF0, s12;
	s15 =	spop (v2sf);
	s0 =	sadd.s32 s3, s0  }
0x8a: {  	[tilespmem:s13], [sflag:$0x1] =	stream.linear.gather [hbm4b:s0+s2], $0x80, $0x38;
	[tilespmem:$0x10300] =	vst v63  }
0x8b: {  	s21 =	sand.u32 $0x1FFFFFF0, s15;
	s22 =	spop (v2sf);
	s0 =	sadd.s32 s3, s14  }
0x8c: {  	[tilespmem:s20], [sflag:$0x1] =	stream.linear.gather [hbm4b:s0+s2], $0x80, $0x38;
	[tilespmem:$0x10300] =	vst v63  }
0x8d: {  	s23 =	sadd.s32 $0x880, s19;
	s24 =	sand.u32 $0x1FFFFFF0, s22;
	s0 =	sadd.s32 s3, s21  }
0x8e: {  	[tilespmem:s23], [sflag:$0x1] =	stream.linear.gather [hbm4b:s0+s2], $0x80, $0x38;
	[tilespmem:$0x10300] =	vst v63  }
0x8f: {  	s26 =	sadd.s32 $0x900, s19;
	s0 =	sadd.s32 s3, s24  }
0x90: {  	[tilespmem:s26], [sflag:$0x1] =	stream.linear.gather [hbm4b:s0+s2], $0x80, $0x38;
	[tilespmem:$0x10300] =	vst v63  }
0x91: {  	s25 =	spop (v2sf)  }
0x92: {  	p1 =	sne.s32 s18, $0x3E000;
	vm9 =	vmmov vm10;
	s29 =	sadd.s32 $0x980, s19;
	s28 =	sand.u32 $0x1FFFFFF0, s25  }
.Ltmp0:
0x93: {  	vm10 =	vmmov vm11;
	vm11 =	vmmov vm12;
	vm12 =	vmmov vm13;
	s30 =	spop (v2sf);
	s0 =	sadd.s32 s3, s28;
	(pc) =	sbr.rel @p1 .LBB2_2-.Ltmp0, $4  }
0x94: {  	vm13 =	vmmov vm14;
	vm14 =	vmmov vm15;
	vm15 =	vmmov vm3;
	[tilespmem:s29], [sflag:$0x1] =	stream.linear.gather [hbm4b:s0+s2], $0x80, $0x38;
	[tilespmem:$0x10300] =	vst v63  }
0x95: {  	s17 =	sadd.s32 $0x10, s17;
	s16 =	sadd.s32 $0x10, s16;
	vm3 =	vmmov vm4;
	vm4 =	vmmov vm5;
	vm5 =	vmmov vm6;
	s0 =	sand.u32 $0x1FFFFFF0, s30  }
0x96: {  	s18 =	sadd.s32 $0x2000, s18;
	vm6 =	vmmov vm7;
	vm7 =	vmmov vm8;
	vm8 =	vmmov vm0;
	s31 =	sadd.s32 $0xA00, s19;
	s0 =	sadd.s32 s3, s0  }
0x97: {  	vm0 =	vmmov vm1;
	vm1 =	vmmov vm2;
	vm2 =	vcmask $0x1B18;
	[tilespmem:s31], [sflag:$0x1] =	stream.linear.gather [hbm4b:s0+s2], $0x80, $0x38;
	[tilespmem:$0x10300] =	vst v63  }
0x98: {  	s0 =	simm.s32 $0x1  }
0x99: {  	_ =	swait.ge [sflag:s0], $0x10000  }
0x9a: {  	[sflag:s0] =	ssyncset.done $0x0  }
0x9b: {  	[sflag:s0] =	ssyncadd.s32 $0xFFFF0000  }
0x9c: {  	s16 =	simm.s32 $0x0;
	v3 =	vld [tilespmem:$0x10280]  }
0x9d: {  	v4 =	vld [tilespmem:s16+$0x280]  }
0x9e: {  	v6 =	vld [tilespmem:s16+$0x290]  }
0x9f: {  	s17 =	simm.s32 $0x200;
	v5 =	vld [tilespmem:s16+$0x2A0]  }
.LBB2_4:
0xa0: {  	p1 =	sne.s32 s17, $0x3FE00;
	v7 =	vld [tilespmem:s16+$0x2B0];
	_ =	sdelay $0x1  }
0xa1: {  	v4 =	vmul.f32 v4, v3  }
.Ltmp1:
0xa2: {  	v6 =	vmul.f32 v6, v3;
	(pc) =	sbr.rel @p1 .LBB2_4-.Ltmp1, $4  }
0xa3: {  	s0 =	sshra.s32 s17, $0x2;
	[tilespmem:s16+$0x280] =	vst v4;
	v5 =	vmul.f32 v5, v3  }
0xa4: {  	v4 =	vld [tilespmem:s0+$0x280];
	[tilespmem:s16+$0x290] =	vst v6;
	v7 =	vmul.f32 v7, v3  }
0xa5: {  	v6 =	vld [tilespmem:s0+$0x290];
	[tilespmem:s16+$0x2A0] =	vst v5  }
0xa6: {  	s17 =	sadd.s32 $0x200, s17;
	v5 =	vld [tilespmem:s0+$0x2A0];
	[tilespmem:s16+$0x2B0] =	vst v7;
	s16 =	smov.u32 s0  }
0xa7: {  	v7 =	vld [tilespmem:s16+$0x2B0];
	_ =	sdelay $0x1  }
0xa8: {  	v4 =	vmul.f32 v4, v3  }
0xa9: {  	v6 =	vmul.f32 v6, v3  }
0xaa: {  	[tilespmem:s16+$0x280] =	vst v4;
	v63 =	vmul.f32 v5, v3  }
0xab: {  	[tilespmem:s16+$0x290] =	vst v6;
	v3 =	vmul.f32 v7, v3  }
0xac: {  	[tilespmem:s16+$0x2A0] =	vst v63  }
0xad: {  	s0 =	rddreg [dreg:$0x6];
	s1 =	simm.s32 $0x280;
	s4 =	simm.s32 $0x2;
	[tilespmem:s16+$0x2B0] =	vst v3  }
0xae: {  	[hbm4b:s0+s2] =	stream.linear.scatter [tilespmem:s1], [sflag:$0x2], $0x10000, $0x38;
	[tilespmem:$0x10300] =	vst v63  }
0xaf: {  	_ =	swait.ge [sflag:s4], $0x10000  }
0xb0: {  	s30 =	rddreg [dreg:$0x9]  }
0xb1: {  	s31 =	rddreg [dreg:$0x7];
	s1 =	sadd.s32 $0x1, s30  }
0xb2: {  	p1 =	sne.s32 s1, s31  }
.Ltmp2:
0xb3: {  	_ = 	snop;
	(pc) =	sbr.rel @p1 .LBB2_1-.Ltmp2, $3  }
0xb4: {  	_ =	sdelay $0x1  }
0xb5: {  	[sflag:s4] =	ssyncset.done $0x0  }
0xb6: {  	[sflag:s4] =	ssyncadd.s32 $0xFFFF0000  }
0xb7: {  	_ =	sfence.sel $0x180000  }
0xb8: {  	[bflag:$0x0] =	sbarrier.arrive $0xFFFF  }
0xb9: {  	_ =	strace $0x90000047  }
0xba: {  	s0 =	stileid.u32;
	[bflag:$0x2] =	sbarrier.arrive $0xFFFF  }
0xbb: {  	p0 =	sne.s32 s0, $0x0;
	s0 =	rddreg [dreg:$0x2]  }
0xbc: {  	s0 =	sadd.s32 @!p0 $0x100000, s0  }
0xbd: {  	[sflag:s0] =	ssyncadd.tile.s32 @!p0 $0x1;
	_ =	shalt  }
.Lfunc_end2:
_tile_overlayer_lowered:
.L_overlay_start_2:
0xbe: {  	(tag) =	ssettag $0x2  }
0xbf: {  	s0 =	rddreg [dreg:$0x0];
	s2 =	stileid.u32  }
0xc0: {  	s1 =	rddreg [dreg:$0x1];
	p0 =	sne.s32 s2, $0x0  }
0xc1: {  	s3 =	rddreg [dreg:$0x2];
	[bflag:$0x3] =	sbarrier.arrive $0xFFFF;
	s2 =	simm.s32 @!p0 $0x1C02  }
0xc2: {  	[timem:s3], [sflag:s2] =	dma.local @!p0 [hbm:s0], s1  }
0xc3: {  	s0 =	simm.s32 @!p0 $0x2  }
0xc4: {  	_ =	swait.ge @!p0 [sflag:s0], s1  }
0xc5: {  	s1 =	ssub.s32 @!p0 $0x0, s1;
	[sflag:s0] =	ssyncset.done @!p0 $0x0  }
0xc6: {  	[sflag:s0] =	ssyncadd.s32 @!p0 s1  }
0xc7: {  	[bflag:$0x3] =	sbarrier.arrive $0xFFFF  }
0xc8: {  	_ =	shalt  }

</sc_bundles>
